<compile_context>
chip_gen: v7x
topology: tpu7x:2x2x1
jax: 0.10.2.dev20260603
libtpu: 0.0.44.dev20260713+nightly
codegen_flags: <defaults>
</compile_context>

<pallas_src>
import functools

import jax
import jax.numpy as jnp
from jax import lax
from jax.experimental import pallas as pl
from jax.experimental.pallas import tpu as pltpu
from jax.experimental.pallas import tpu_sc as plsc

NC = 2
NS = 16
M = 2
EB = M * 128
ND = 2
NI = 4
ADT = jnp.bfloat16


def _sc_segsum(state, idx_r, zblk):
    sp_rows, d = state.shape
    nb = idx_r.shape[2]
    assert nb % NI == 0 and nb >= NI + 2
    n = sp_rows
    rows_per_sub = -(-(n + 1) // (NS * 16)) * 16
    acc_rows = NS * rows_per_sub
    chunks = []
    r = 0
    while r < rows_per_sub:
        c = min(EB, rows_per_sub - r)
        chunks.append((r, c))
        r += c

    mesh = plsc.VectorSubcoreMesh(core_axis_name="c", subcore_axis_name="s")

    @functools.partial(
        pl.kernel,
        out_type=jax.ShapeDtypeStruct((NC, acc_rows, d), ADT),
        mesh=mesh,
        compiler_params=pltpu.CompilerParams(use_tc_tiling_on_sc=False),
        scratch_types=(
            [pltpu.VMEM((2, M, 128), jnp.int32)] * NI
            + [pltpu.VMEM((EB, d), ADT)] * ND
            + [pltpu.VMEM_SHARED((acc_rows, d), ADT)]
            + [pltpu.VMEM_SHARED((sp_rows, d), ADT)]
            + [pltpu.SemaphoreType.DMA] * (NI + 2 * ND)
        ),
    )
    def k(state_hbm, idx_hbm, z_hbm, out_hbm, *rest):
        ibufs = rest[:NI]
        bufs = rest[NI:NI + ND]
        acc = rest[NI + ND]
        state_sp = rest[NI + ND + 1]
        isems = rest[NI + ND + 2:2 * NI + ND + 2]
        gsems = rest[2 * NI + ND + 2:2 * NI + 2 * ND + 2]
        ssems = rest[2 * NI + 2 * ND + 2:]
        cid = lax.axis_index("c")
        sid = lax.axis_index("s")
        spt = sp_rows // NS
        pltpu.sync_copy(state_hbm.at[pl.ds(sid * spt, spt)],
                        state_sp.at[pl.ds(sid * spt, spt)])
        pltpu.sync_copy(z_hbm, bufs[0])
        for r0, c in chunks:
            pltpu.sync_copy(bufs[0].at[pl.ds(0, c)],
                            acc.at[pl.ds(sid * rows_per_sub + r0, c)])
        plsc.subcore_barrier()

        def fire_idx(j, sj):
            q = sj % NI
            pltpu.async_copy(idx_hbm.at[cid, sid, j], ibufs[q], isems[q])

        def wait_idx(sj):
            q = sj % NI
            pltpu.make_async_copy(
                idx_hbm.at[cid, sid, 0], ibufs[q], isems[q]).wait()

        def fire_gathers(sj):
            b, q = sj % ND, sj % NI
            for t in range(M):
                pltpu.async_copy(state_sp.at[ibufs[q].at[0, t]],
                                 bufs[b].at[pl.ds(t * 128, 128)], gsems[b])

        def wait_gathers(sj):
            b, q = sj % ND, sj % NI
            for t in range(M):
                pltpu.make_async_copy(
                    state_sp.at[ibufs[q].at[0, t]],
                    bufs[b].at[pl.ds(t * 128, 128)], gsems[b]).wait()

        def fire_scatters(sj):
            b, q = sj % ND, sj % NI
            for t in range(M):
                pltpu.async_copy(bufs[b].at[pl.ds(t * 128, 128)],
                                 acc.at[ibufs[q].at[1, t]], ssems[b],
                                 add=True)

        def wait_scatters(sj):
            b, q = sj % ND, sj % NI
            for t in range(M):
                pltpu.make_async_copy(
                    bufs[b].at[pl.ds(t * 128, 128)],
                    acc.at[ibufs[q].at[1, t]], ssems[b]).wait()

        def step(j, sj, s1=True, s2=True, s3=True, s4=True):
            if s1:
                wait_idx(sj + 1)
            if s2:
                wait_scatters(sj - 1)
            if s3:
                fire_gathers(sj + 1)
            if s4:
                fire_idx(j + 2, sj + 2)
            wait_gathers(sj)
            fire_scatters(sj)

        fire_idx(0, 0)
        fire_idx(1, 1)
        wait_idx(0)
        fire_gathers(0)
        step(0, 0, s2=False)
        step(1, 1)

        def body(i, carry):
            for u in range(NI):
                step(2 + i * NI + u, 2 + u)
            return carry

        lax.fori_loop(0, (nb - 4) // NI, body, 0)
        step(nb - 2, nb - 2, s4=False)
        step(nb - 1, nb - 1, s1=False, s3=False, s4=False)
        wait_scatters(nb - 1)
        plsc.subcore_barrier()
        for t, (r0, c) in enumerate(chunks):
            b = t % ND
            r = sid * rows_per_sub + r0
            pltpu.sync_copy(acc.at[pl.ds(r, c)], bufs[b].at[pl.ds(0, c)])
            pltpu.sync_copy(bufs[b].at[pl.ds(0, c)],
                            out_hbm.at[cid, pl.ds(r, c)])

    return k(state, idx_r, zblk)


def _combine(partials, n):
    d = partials.shape[2]
    rb = 1000

    def body(p_ref, o_ref):
        o_ref[...] = (p_ref[0].astype(jnp.float32)
                      + p_ref[1].astype(jnp.float32))

    return pl.pallas_call(
        body,
        grid=(n // rb,),
        in_specs=[pl.BlockSpec((2, rb, d), lambda i: (0, i, 0))],
        out_specs=pl.BlockSpec((rb, d), lambda i: (i, 0)),
        out_shape=jax.ShapeDtypeStruct((n, d), jnp.float32),
    )(partials)


def kernel(state_input, adj):
    n, d = state_input.shape
    e = adj.shape[1]
    nb = -(-e // (NC * NS * EB))
    nb = max(-(-nb // NI) * NI, NI + 4)
    pad = NC * NS * nb * EB - e
    row_p = jnp.concatenate([adj[0], jnp.zeros((pad,), jnp.int32)])
    col_p = jnp.concatenate([adj[1], jnp.full((pad,), n, jnp.int32)])
    idx_r = jnp.stack(
        [row_p.reshape(NC, NS, nb, M, 128),
         col_p.reshape(NC, NS, nb, M, 128)], axis=3)
    zblk = jnp.zeros((EB, d), ADT)
    sp_rows = -(-n // (NS * 16)) * NS * 16
    state_p = jnp.pad(state_input.astype(ADT), ((0, sp_rows - n), (0, 0)))
    partials = _sc_segsum(state_p, idx_r, zblk)
    out = _combine(partials, n)
    zeros = jnp.zeros_like(state_input)
    return (out, state_input, zeros, out, out)

# --- scband reference (transcript-rebuilt; emitter-appended) ---
"""Pipeline reference for scband-dynamics-equation-33243046871050 (READ-ONLY COPY).

The authoritative reference and input builder live on the scoring server;
editing this copy changes nothing except your own understanding.
"""

import jax, jax.numpy as jnp
import numpy as np

N_NODES = 10000
N_EDGES = 320000
D_FEAT = 128


def setup_inputs(seed: int = 0) -> dict:
    key = jax.random.key(seed)
    k1, k2 = jax.random.split(key)
    state_input = jax.random.normal(k1, (N_NODES, D_FEAT), dtype=jnp.float32)
    adj = jax.random.randint(k2, (2, N_EDGES), 0, N_ODES if False else N_NODES, dtype=jnp.int32)
    return {"state_input": state_input, "adj": adj}


def reference(state_input, adj):
    # Empty equation strings => f_eq, g_eq, s_eq are all None in the original module.
    # adj has 2 rows => edge_weights = ones.
    row = adj[0]
    col = adj[1]
    edge_weights = jnp.ones((adj.shape[1],), dtype=jnp.float32)
    # f_eq is None -> self_diff = zeros_like(state_input)
    self_diff = jnp.zeros_like(state_input)
    # g_eq is None -> neighbor_processed = state_input[row]  (gather)
    neighbor_processed = jnp.take(state_input, row, axis=0)
    # scatter_sum over destination nodes (col), dim_size = n_nodes
    aggregated_sum = jax.ops.segment_sum(
        neighbor_processed * edge_weights[:, None], col,
        num_segments=state_input.shape[0])
    # s_eq is None -> interact_diff = aggregated_sum
    interact_diff = aggregated_sum
    out = self_diff + interact_diff
    return (out, state_input, self_diff, aggregated_sum, interact_diff)

if __name__ == "__main__":
    import jax
    _d = setup_inputs()
    print(jax.jit(kernel)(*tuple(_d.values())))

</pallas_src>

<mosaic_0001>
#map = affine_map<(d0, d1) -> (0, 0)>
#map1 = affine_map<(d0, d1) -> (0, 0, 0, 0, 0, 0)>
#map2 = affine_map<(d0, d1) -> (0, 0, 0)>
module attributes {stable_mosaic.version = 14 : i64} {
  func.func @k(%arg0: i32, %arg1: i32, %arg2: memref<10240x128xbf16, #tpu.memory_space<hbm>>, %arg3: memref<2x16x40x2x2x128xi32, #tpu.memory_space<hbm>>, %arg4: memref<256x128xbf16, #tpu.memory_space<hbm>>, %arg5: memref<2x10496x128xbf16, #tpu.memory_space<hbm>>, %arg6: memref<2x2x128xi32, #tpu.memory_space<vmem>>, %arg7: memref<2x2x128xi32, #tpu.memory_space<vmem>>, %arg8: memref<2x2x128xi32, #tpu.memory_space<vmem>>, %arg9: memref<2x2x128xi32, #tpu.memory_space<vmem>>, %arg10: memref<256x128xbf16, #tpu.memory_space<vmem>>, %arg11: memref<256x128xbf16, #tpu.memory_space<vmem>>, %arg12: memref<10496x128xbf16, #tpu.memory_space<vmem_shared>>, %arg13: memref<10240x128xbf16, #tpu.memory_space<vmem_shared>>, %arg14: memref<!tpu.dma_semaphore, #tpu.memory_space<semaphore_mem>>, %arg15: memref<!tpu.dma_semaphore, #tpu.memory_space<semaphore_mem>>, %arg16: memref<!tpu.dma_semaphore, #tpu.memory_space<semaphore_mem>>, %arg17: memref<!tpu.dma_semaphore, #tpu.memory_space<semaphore_mem>>, %arg18: memref<!tpu.dma_semaphore, #tpu.memory_space<semaphore_mem>>, %arg19: memref<!tpu.dma_semaphore, #tpu.memory_space<semaphore_mem>>, %arg20: memref<!tpu.dma_semaphore, #tpu.memory_space<semaphore_mem>>, %arg21: memref<!tpu.dma_semaphore, #tpu.memory_space<semaphore_mem>>) attributes {dimension_semantics = [#tpu.dimension_semantics<core_parallel>, #tpu.dimension_semantics<subcore_parallel>], iteration_bounds = array<i64: 2, 16>, scalar_prefetch = 0 : i64, scratch_operands = 16 : i64, tpu.core_type = #tpu.core_type<sc_vector_subcore>, window_params = [{transform_indices = #map}, {transform_indices = #map1}, {transform_indices = #map}, {transform_indices = #map2}]} {
    %mul3A = arith.constant 640 : i32
    %mul3A_0 = arith.muli %arg1, %mul3A : i32
    %mul3A_1 = arith.constant 640 : i32
    %mul3A_2 = arith.muli %arg1, %mul3A_1 : i32
    "tpu.region"() ({
      %run_scoped3A = tpu.sem_alloc : memref<!tpu.dma_semaphore, #tpu.memory_space<semaphore_mem>>
      %dma_start3A_470 = arith.constant 0 : i32
      %dma_start3A_471 = tpu.memref_slice %arg13[%mul3A_2, %dma_start3A_470] : memref<10240x128xbf16, #tpu.memory_space<vmem_shared>> -> memref<640x128xbf16, #tpu.memory_space<vmem_shared>>
      %dma_start3A_472 = arith.constant 0 : i32
      %dma_start3A_473 = tpu.memref_slice %arg2[%mul3A_0, %dma_start3A_472] : memref<10240x128xbf16, #tpu.memory_space<hbm>> -> memref<640x128xbf16, #tpu.memory_space<hbm>>
      tpu.enqueue_dma source(%dma_start3A_473 : memref<640x128xbf16, #tpu.memory_space<hbm>>) target(%dma_start3A_471 : memref<640x128xbf16, #tpu.memory_space<vmem_shared>>) target_semaphore(%run_scoped3A : memref<!tpu.dma_semaphore, #tpu.memory_space<semaphore_mem>>)
      %dma_wait3A_474 = arith.constant 0 : i32
      %dma_wait3A_475 = tpu.memref_slice %arg13[%mul3A_2, %dma_wait3A_474] : memref<10240x128xbf16, #tpu.memory_space<vmem_shared>> -> memref<640x128xbf16, #tpu.memory_space<vmem_shared>>
      %dma_wait3A_476 = arith.constant 0 : i32
      %dma_wait3A_477 = tpu.memref_slice %arg2[%mul3A_0, %dma_wait3A_476] : memref<10240x128xbf16, #tpu.memory_space<hbm>> -> memref<640x128xbf16, #tpu.memory_space<hbm>>
      tpu.wait_dma2 semaphore(%run_scoped3A : memref<!tpu.dma_semaphore, #tpu.memory_space<semaphore_mem>>) src(%dma_wait3A_477 : memref<640x128xbf16, #tpu.memory_space<hbm>>) dst(%dma_wait3A_475 : memref<640x128xbf16, #tpu.memory_space<vmem_shared>>)
      tpu.yield
    }) : () -> ()
    "tpu.region"() ({
      %run_scoped3A = tpu.sem_alloc : memref<!tpu.dma_semaphore, #tpu.memory_space<semaphore_mem>>
      tpu.enqueue_dma source(%arg4 : memref<256x128xbf16, #tpu.memory_space<hbm>>) target(%arg10 : memref<256x128xbf16, #tpu.memory_space<vmem>>) target_semaphore(%run_scoped3A : memref<!tpu.dma_semaphore, #tpu.memory_space<semaphore_mem>>)
      tpu.wait_dma2 semaphore(%run_scoped3A : memref<!tpu.dma_semaphore, #tpu.memory_space<semaphore_mem>>) src(%arg4 : memref<256x128xbf16, #tpu.memory_space<hbm>>) dst(%arg10 : memref<256x128xbf16, #tpu.memory_space<vmem>>)
      tpu.yield
    }) : () -> ()
    %mul3A_3 = arith.constant 656 : i32
    %mul3A_4 = arith.muli %arg1, %mul3A_3 : i32
    %add3A = arith.constant 0 : i32
    %add3A_5 = arith.addi %mul3A_4, %add3A : i32
    "tpu.region"() ({
      %run_scoped3A = tpu.sem_alloc : memref<!tpu.dma_semaphore, #tpu.memory_space<semaphore_mem>>
      %dma_start3A_470 = arith.constant 0 : i32
      %dma_start3A_471 = arith.constant 0 : i32
      %dma_start3A_472 = tpu.memref_slice %arg10[%dma_start3A_470, %dma_start3A_471] : memref<256x128xbf16, #tpu.memory_space<vmem>> -> memref<256x128xbf16, #tpu.memory_space<vmem>>
      %dma_start3A_473 = arith.constant 0 : i32
      %dma_start3A_474 = tpu.memref_slice %arg12[%add3A_5, %dma_start3A_473] : memref<10496x128xbf16, #tpu.memory_space<vmem_shared>> -> memref<256x128xbf16, #tpu.memory_space<vmem_shared>>
      %dma_start3A_475 = arith.constant 0 : i32
      %dma_start3A_476 = tpu.memref_slice %arg12[%add3A_5, %dma_start3A_475] : memref<10496x128xbf16, #tpu.memory_space<vmem_shared>> -> memref<256x128xbf16, #tpu.memory_space<vmem_shared>>
      %dma_start3A_477 = arith.constant 0 : i32
      %dma_start3A_478 = arith.constant 0 : i32
      %dma_start3A_479 = tpu.memref_slice %arg10[%dma_start3A_477, %dma_start3A_478] : memref<256x128xbf16, #tpu.memory_space<vmem>> -> memref<256x128xbf16, #tpu.memory_space<vmem>>
      tpu.enqueue_dma source(%dma_start3A_479 : memref<256x128xbf16, #tpu.memory_space<vmem>>) target(%dma_start3A_476 : memref<256x128xbf16, #tpu.memory_space<vmem_shared>>) target_semaphore(%run_scoped3A : memref<!tpu.dma_semaphore, #tpu.memory_space<semaphore_mem>>)
      %dma_wait3A_480 = arith.constant 0 : i32
      %dma_wait3A_481 = arith.constant 0 : i32
      %dma_wait3A_482 = tpu.memref_slice %arg10[%dma_wait3A_480, %dma_wait3A_481] : memref<256x128xbf16, #tpu.memory_space<vmem>> -> memref<256x128xbf16, #tpu.memory_space<vmem>>
      %dma_wait3A_483 = arith.constant 0 : i32
      %dma_wait3A_484 = tpu.memref_slice %arg12[%add3A_5, %dma_wait3A_483] : memref<10496x128xbf16, #tpu.memory_space<vmem_shared>> -> memref<256x128xbf16, #tpu.memory_space<vmem_shared>>
      %dma_wait3A_485 = arith.constant 0 : i32
      %dma_wait3A_486 = tpu.memref_slice %arg12[%add3A_5, %dma_wait3A_485] : memref<10496x128xbf16, #tpu.memory_space<vmem_shared>> -> memref<256x128xbf16, #tpu.memory_space<vmem_shared>>
      %dma_wait3A_487 = arith.constant 0 : i32
      %dma_wait3A_488 = arith.constant 0 : i32
      %dma_wait3A_489 = tpu.memref_slice %arg10[%dma_wait3A_487, %dma_wait3A_488] : memref<256x128xbf16, #tpu.memory_space<vmem>> -> memref<256x128xbf16, #tpu.memory_space<vmem>>
      tpu.wait_dma2 semaphore(%run_scoped3A : memref<!tpu.dma_semaphore, #tpu.memory_space<semaphore_mem>>) src(%dma_wait3A_489 : memref<256x128xbf16, #tpu.memory_space<vmem>>) dst(%dma_wait3A_486 : memref<256x128xbf16, #tpu.memory_space<vmem_shared>>)
      tpu.yield
    }) : () -> ()
    %mul3A_6 = arith.constant 656 : i32
    %mul3A_7 = arith.muli %arg1, %mul3A_6 : i32
    %add3A_8 = arith.constant 256 : i32
    %add3A_9 = arith.addi %mul3A_7, %add3A_8 : i32
    "tpu.region"() ({
      %run_scoped3A = tpu.sem_alloc : memref<!tpu.dma_semaphore, #tpu.memory_space<semaphore_mem>>
      %dma_start3A_470 = arith.constant 0 : i32
      %dma_start3A_471 = arith.constant 0 : i32
      %dma_start3A_472 = tpu.memref_slice %arg10[%dma_start3A_470, %dma_start3A_471] : memref<256x128xbf16, #tpu.memory_space<vmem>> -> memref<256x128xbf16, #tpu.memory_space<vmem>>
      %dma_start3A_473 = arith.constant 0 : i32
      %dma_start3A_474 = tpu.memref_slice %arg12[%add3A_9, %dma_start3A_473] : memref<10496x128xbf16, #tpu.memory_space<vmem_shared>> -> memref<256x128xbf16, #tpu.memory_space<vmem_shared>>
      %dma_start3A_475 = arith.constant 0 : i32
      %dma_start3A_476 = tpu.memref_slice %arg12[%add3A_9, %dma_start3A_475] : memref<10496x128xbf16, #tpu.memory_space<vmem_shared>> -> memref<256x128xbf16, #tpu.memory_space<vmem_shared>>
      %dma_start3A_477 = arith.constant 0 : i32
      %dma_start3A_478 = arith.constant 0 : i32
      %dma_start3A_479 = tpu.memref_slice %arg10[%dma_start3A_477, %dma_start3A_478] : memref<256x128xbf16, #tpu.memory_space<vmem>> -> memref<256x128xbf16, #tpu.memory_space<vmem>>
      tpu.enqueue_dma source(%dma_start3A_479 : memref<256x128xbf16, #tpu.memory_space<vmem>>) target(%dma_start3A_476 : memref<256x128xbf16, #tpu.memory_space<vmem_shared>>) target_semaphore(%run_scoped3A : memref<!tpu.dma_semaphore, #tpu.memory_space<semaphore_mem>>)
      %dma_wait3A_480 = arith.constant 0 : i32
      %dma_wait3A_481 = arith.constant 0 : i32
      %dma_wait3A_482 = tpu.memref_slice %arg10[%dma_wait3A_480, %dma_wait3A_481] : memref<256x128xbf16, #tpu.memory_space<vmem>> -> memref<256x128xbf16, #tpu.memory_space<vmem>>
      %dma_wait3A_483 = arith.constant 0 : i32
      %dma_wait3A_484 = tpu.memref_slice %arg12[%add3A_9, %dma_wait3A_483] : memref<10496x128xbf16, #tpu.memory_space<vmem_shared>> -> memref<256x128xbf16, #tpu.memory_space<vmem_shared>>
      %dma_wait3A_485 = arith.constant 0 : i32
      %dma_wait3A_486 = tpu.memref_slice %arg12[%add3A_9, %dma_wait3A_485] : memref<10496x128xbf16, #tpu.memory_space<vmem_shared>> -> memref<256x128xbf16, #tpu.memory_space<vmem_shared>>
      %dma_wait3A_487 = arith.constant 0 : i32
      %dma_wait3A_488 = arith.constant 0 : i32
      %dma_wait3A_489 = tpu.memref_slice %arg10[%dma_wait3A_487, %dma_wait3A_488] : memref<256x128xbf16, #tpu.memory_space<vmem>> -> memref<256x128xbf16, #tpu.memory_space<vmem>>
      tpu.wait_dma2 semaphore(%run_scoped3A : memref<!tpu.dma_semaphore, #tpu.memory_space<semaphore_mem>>) src(%dma_wait3A_489 : memref<256x128xbf16, #tpu.memory_space<vmem>>) dst(%dma_wait3A_486 : memref<256x128xbf16, #tpu.memory_space<vmem_shared>>)
      tpu.yield
    }) : () -> ()
    %mul3A_10 = arith.constant 656 : i32
    %mul3A_11 = arith.muli %arg1, %mul3A_10 : i32
    %add3A_12 = arith.constant 512 : i32
    %add3A_13 = arith.addi %mul3A_11, %add3A_12 : i32
    "tpu.region"() ({
      %run_scoped3A = tpu.sem_alloc : memref<!tpu.dma_semaphore, #tpu.memory_space<semaphore_mem>>
      %dma_start3A_470 = arith.constant 0 : i32
      %dma_start3A_471 = arith.constant 0 : i32
      %dma_start3A_472 = tpu.memref_slice %arg10[%dma_start3A_470, %dma_start3A_471] : memref<256x128xbf16, #tpu.memory_space<vmem>> -> memref<144x128xbf16, #tpu.memory_space<vmem>>
      %dma_start3A_473 = arith.constant 0 : i32
      %dma_start3A_474 = tpu.memref_slice %arg12[%add3A_13, %dma_start3A_473] : memref<10496x128xbf16, #tpu.memory_space<vmem_shared>> -> memref<144x128xbf16, #tpu.memory_space<vmem_shared>>
      %dma_start3A_475 = arith.constant 0 : i32
      %dma_start3A_476 = tpu.memref_slice %arg12[%add3A_13, %dma_start3A_475] : memref<10496x128xbf16, #tpu.memory_space<vmem_shared>> -> memref<144x128xbf16, #tpu.memory_space<vmem_shared>>
      %dma_start3A_477 = arith.constant 0 : i32
      %dma_start3A_478 = arith.constant 0 : i32
      %dma_start3A_479 = tpu.memref_slice %arg10[%dma_start3A_477, %dma_start3A_478] : memref<256x128xbf16, #tpu.memory_space<vmem>> -> memref<144x128xbf16, #tpu.memory_space<vmem>>
      tpu.enqueue_dma source(%dma_start3A_479 : memref<144x128xbf16, #tpu.memory_space<vmem>>) target(%dma_start3A_476 : memref<144x128xbf16, #tpu.memory_space<vmem_shared>>) target_semaphore(%run_scoped3A : memref<!tpu.dma_semaphore, #tpu.memory_space<semaphore_mem>>)
      %dma_wait3A_480 = arith.constant 0 : i32
      %dma_wait3A_481 = arith.constant 0 : i32
      %dma_wait3A_482 = tpu.memref_slice %arg10[%dma_wait3A_480, %dma_wait3A_481] : memref<256x128xbf16, #tpu.memory_space<vmem>> -> memref<144x128xbf16, #tpu.memory_space<vmem>>
      %dma_wait3A_483 = arith.constant 0 : i32
      %dma_wait3A_484 = tpu.memref_slice %arg12[%add3A_13, %dma_wait3A_483] : memref<10496x128xbf16, #tpu.memory_space<vmem_shared>> -> memref<144x128xbf16, #tpu.memory_space<vmem_shared>>
      %dma_wait3A_485 = arith.constant 0 : i32
      %dma_wait3A_486 = tpu.memref_slice %arg12[%add3A_13, %dma_wait3A_485] : memref<10496x128xbf16, #tpu.memory_space<vmem_shared>> -> memref<144x128xbf16, #tpu.memory_space<vmem_shared>>
      %dma_wait3A_487 = arith.constant 0 : i32
      %dma_wait3A_488 = arith.constant 0 : i32
      %dma_wait3A_489 = tpu.memref_slice %arg10[%dma_wait3A_487, %dma_wait3A_488] : memref<256x128xbf16, #tpu.memory_space<vmem>> -> memref<144x128xbf16, #tpu.memory_space<vmem>>
      tpu.wait_dma2 semaphore(%run_scoped3A : memref<!tpu.dma_semaphore, #tpu.memory_space<semaphore_mem>>) src(%dma_wait3A_489 : memref<144x128xbf16, #tpu.memory_space<vmem>>) dst(%dma_wait3A_486 : memref<144x128xbf16, #tpu.memory_space<vmem_shared>>)
      tpu.yield
    }) : () -> ()
    %barrier3A = arith.constant 0 : index
    tpu.barrier barrier_id(%barrier3A)
    %dma_start3A = arith.constant 0 : i32
    %dma_start3A_14 = arith.constant 0 : i32
    %dma_start3A_15 = arith.constant 0 : i32
    %dma_start3A_16 = arith.constant 0 : i32
    %dma_start3A_17 = tpu.memref_slice %arg3[%arg0, %arg1, %dma_start3A, %dma_start3A_14, %dma_start3A_15, %dma_start3A_16] : memref<2x16x40x2x2x128xi32, #tpu.memory_space<hbm>> -> memref<1x1x1x2x2x128xi32, #tpu.memory_space<hbm>>
    %dma_start3A_18 = tpu.memref_squeeze %dma_start3A_17 : memref<1x1x1x2x2x128xi32, #tpu.memory_space<hbm>> -> memref<2x2x128xi32, #tpu.memory_space<hbm>>
    %dma_start3A_19 = arith.constant 0 : i32
    %dma_start3A_20 = arith.constant 0 : i32
    %dma_start3A_21 = arith.constant 0 : i32
    %dma_start3A_22 = tpu.memref_slice %arg3[%arg0, %arg1, %dma_start3A, %dma_start3A_19, %dma_start3A_20, %dma_start3A_21] : memref<2x16x40x2x2x128xi32, #tpu.memory_space<hbm>> -> memref<1x1x1x2x2x128xi32, #tpu.memory_space<hbm>>
    %dma_start3A_23 = tpu.memref_squeeze %dma_start3A_22 : memref<1x1x1x2x2x128xi32, #tpu.memory_space<hbm>> -> memref<2x2x128xi32, #tpu.memory_space<hbm>>
    tpu.enqueue_dma source(%dma_start3A_23 : memref<2x2x128xi32, #tpu.memory_space<hbm>>) target(%arg6 : memref<2x2x128xi32, #tpu.memory_space<vmem>>) target_semaphore(%arg14 : memref<!tpu.dma_semaphore, #tpu.memory_space<semaphore_mem>>)
    %dma_start3A_24 = arith.constant 1 : i32
    %dma_start3A_25 = arith.constant 0 : i32
    %dma_start3A_26 = arith.constant 0 : i32
    %dma_start3A_27 = arith.constant 0 : i32
    %dma_start3A_28 = tpu.memref_slice %arg3[%arg0, %arg1, %dma_start3A_24, %dma_start3A_25, %dma_start3A_26, %dma_start3A_27] : memref<2x16x40x2x2x128xi32, #tpu.memory_space<hbm>> -> memref<1x1x1x2x2x128xi32, #tpu.memory_space<hbm>>
    %dma_start3A_29 = tpu.memref_squeeze %dma_start3A_28 : memref<1x1x1x2x2x128xi32, #tpu.memory_space<hbm>> -> memref<2x2x128xi32, #tpu.memory_space<hbm>>
    %dma_start3A_30 = arith.constant 0 : i32
    %dma_start3A_31 = arith.constant 0 : i32
    %dma_start3A_32 = arith.constant 0 : i32
    %dma_start3A_33 = tpu.memref_slice %arg3[%arg0, %arg1, %dma_start3A_24, %dma_start3A_30, %dma_start3A_31, %dma_start3A_32] : memref<2x16x40x2x2x128xi32, #tpu.memory_space<hbm>> -> memref<1x1x1x2x2x128xi32, #tpu.memory_space<hbm>>
    %dma_start3A_34 = tpu.memref_squeeze %dma_start3A_33 : memref<1x1x1x2x2x128xi32, #tpu.memory_space<hbm>> -> memref<2x2x128xi32, #tpu.memory_space<hbm>>
    tpu.enqueue_dma source(%dma_start3A_34 : memref<2x2x128xi32, #tpu.memory_space<hbm>>) target(%arg7 : memref<2x2x128xi32, #tpu.memory_space<vmem>>) target_semaphore(%arg15 : memref<!tpu.dma_semaphore, #tpu.memory_space<semaphore_mem>>)
    %dma_wait3A = arith.constant 0 : i32
    %dma_wait3A_35 = arith.constant 0 : i32
    %dma_wait3A_36 = arith.constant 0 : i32
    %dma_wait3A_37 = arith.constant 0 : i32
    %dma_wait3A_38 = tpu.memref_slice %arg3[%arg0, %arg1, %dma_wait3A, %dma_wait3A_35, %dma_wait3A_36, %dma_wait3A_37] : memref<2x16x40x2x2x128xi32, #tpu.memory_space<hbm>> -> memref<1x1x1x2x2x128xi32, #tpu.memory_space<hbm>>
    %dma_wait3A_39 = tpu.memref_squeeze %dma_wait3A_38 : memref<1x1x1x2x2x128xi32, #tpu.memory_space<hbm>> -> memref<2x2x128xi32, #tpu.memory_space<hbm>>
    %dma_wait3A_40 = arith.constant 0 : i32
    %dma_wait3A_41 = arith.constant 0 : i32
    %dma_wait3A_42 = arith.constant 0 : i32
    %dma_wait3A_43 = tpu.memref_slice %arg3[%arg0, %arg1, %dma_wait3A, %dma_wait3A_40, %dma_wait3A_41, %dma_wait3A_42] : memref<2x16x40x2x2x128xi32, #tpu.memory_space<hbm>> -> memref<1x1x1x2x2x128xi32, #tpu.memory_space<hbm>>
    %dma_wait3A_44 = tpu.memref_squeeze %dma_wait3A_43 : memref<1x1x1x2x2x128xi32, #tpu.memory_space<hbm>> -> memref<2x2x128xi32, #tpu.memory_space<hbm>>
    tpu.wait_dma2 semaphore(%arg14 : memref<!tpu.dma_semaphore, #tpu.memory_space<semaphore_mem>>) src(%dma_wait3A_44 : memref<2x2x128xi32, #tpu.memory_space<hbm>>) dst(%arg6 : memref<2x2x128xi32, #tpu.memory_space<vmem>>)
    %dma_start3A_45 = arith.constant 0 : i32
    %dma_start3A_46 = arith.constant 0 : i32
    %dma_start3A_47 = arith.constant 0 : i32
    %dma_start3A_48 = arith.constant 0 : i32
    %dma_start3A_49 = tpu.memref_slice %arg10[%dma_start3A_47, %dma_start3A_48] : memref<256x128xbf16, #tpu.memory_space<vmem>> -> memref<128x128xbf16, #tpu.memory_space<vmem>>
    %dma_start3A_50 = arith.constant 0 : i32
    %dma_start3A_51 = tpu.memref_slice %arg6[%dma_start3A_45, %dma_start3A_46, %dma_start3A_50] : memref<2x2x128xi32, #tpu.memory_space<vmem>> -> memref<1x1x128xi32, #tpu.memory_space<vmem>>
    %dma_start3A_52 = tpu.memref_squeeze %dma_start3A_51 : memref<1x1x128xi32, #tpu.memory_space<vmem>> -> memref<128xi32, #tpu.memory_space<vmem>>
    %dma_start3A_53 = arith.constant 0 : i32
    %dma_start3A_54 = arith.constant 0 : i32
    %dma_start3A_55 = tpu.memref_slice %arg13[%dma_start3A_53, %dma_start3A_54] : memref<10240x128xbf16, #tpu.memory_space<vmem_shared>> -> memref<10240x128xbf16, #tpu.memory_space<vmem_shared>>
    tpu.enqueue_indirect_dma source(%dma_start3A_55 : memref<10240x128xbf16, #tpu.memory_space<vmem_shared>>) target(%dma_start3A_49 : memref<128x128xbf16, #tpu.memory_space<vmem>>) offsets(%dma_start3A_52 : memref<128xi32, #tpu.memory_space<vmem>>) semaphore(%arg18 : memref<!tpu.dma_semaphore, #tpu.memory_space<semaphore_mem>>)
    %dma_start3A_56 = arith.constant 0 : i32
    %dma_start3A_57 = arith.constant 1 : i32
    %dma_start3A_58 = arith.constant 128 : i32
    %dma_start3A_59 = arith.constant 0 : i32
    %dma_start3A_60 = tpu.memref_slice %arg10[%dma_start3A_58, %dma_start3A_59] : memref<256x128xbf16, #tpu.memory_space<vmem>> -> memref<128x128xbf16, #tpu.memory_space<vmem>>
    %dma_start3A_61 = arith.constant 0 : i32
    %dma_start3A_62 = tpu.memref_slice %arg6[%dma_start3A_56, %dma_start3A_57, %dma_start3A_61] : memref<2x2x128xi32, #tpu.memory_space<vmem>> -> memref<1x1x128xi32, #tpu.memory_space<vmem>>
    %dma_start3A_63 = tpu.memref_squeeze %dma_start3A_62 : memref<1x1x128xi32, #tpu.memory_space<vmem>> -> memref<128xi32, #tpu.memory_space<vmem>>
    %dma_start3A_64 = arith.constant 0 : i32
    %dma_start3A_65 = arith.constant 0 : i32
    %dma_start3A_66 = tpu.memref_slice %arg13[%dma_start3A_64, %dma_start3A_65] : memref<10240x128xbf16, #tpu.memory_space<vmem_shared>> -> memref<10240x128xbf16, #tpu.memory_space<vmem_shared>>
    tpu.enqueue_indirect_dma source(%dma_start3A_66 : memref<10240x128xbf16, #tpu.memory_space<vmem_shared>>) target(%dma_start3A_60 : memref<128x128xbf16, #tpu.memory_space<vmem>>) offsets(%dma_start3A_63 : memref<128xi32, #tpu.memory_space<vmem>>) semaphore(%arg18 : memref<!tpu.dma_semaphore, #tpu.memory_space<semaphore_mem>>)
    %dma_wait3A_67 = arith.constant 0 : i32
    %dma_wait3A_68 = arith.constant 0 : i32
    %dma_wait3A_69 = arith.constant 0 : i32
    %dma_wait3A_70 = arith.constant 0 : i32
    %dma_wait3A_71 = tpu.memref_slice %arg3[%arg0, %arg1, %dma_wait3A_67, %dma_wait3A_68, %dma_wait3A_69, %dma_wait3A_70] : memref<2x16x40x2x2x128xi32, #tpu.memory_space<hbm>> -> memref<1x1x1x2x2x128xi32, #tpu.memory_space<hbm>>
    %dma_wait3A_72 = tpu.memref_squeeze %dma_wait3A_71 : memref<1x1x1x2x2x128xi32, #tpu.memory_space<hbm>> -> memref<2x2x128xi32, #tpu.memory_space<hbm>>
    %dma_wait3A_73 = arith.constant 0 : i32
    %dma_wait3A_74 = arith.constant 0 : i32
    %dma_wait3A_75 = arith.constant 0 : i32
    %dma_wait3A_76 = tpu.memref_slice %arg3[%arg0, %arg1, %dma_wait3A_67, %dma_wait3A_73, %dma_wait3A_74, %dma_wait3A_75] : memref<2x16x40x2x2x128xi32, #tpu.memory_space<hbm>> -> memref<1x1x1x2x2x128xi32, #tpu.memory_space<hbm>>
    %dma_wait3A_77 = tpu.memref_squeeze %dma_wait3A_76 : memref<1x1x1x2x2x128xi32, #tpu.memory_space<hbm>> -> memref<2x2x128xi32, #tpu.memory_space<hbm>>
    tpu.wait_dma2 semaphore(%arg15 : memref<!tpu.dma_semaphore, #tpu.memory_space<semaphore_mem>>) src(%dma_wait3A_77 : memref<2x2x128xi32, #tpu.memory_space<hbm>>) dst(%arg7 : memref<2x2x128xi32, #tpu.memory_space<vmem>>)
    %dma_start3A_78 = arith.constant 0 : i32
    %dma_start3A_79 = arith.constant 0 : i32
    %dma_start3A_80 = arith.constant 0 : i32
    %dma_start3A_81 = arith.constant 0 : i32
    %dma_start3A_82 = tpu.memref_slice %arg11[%dma_start3A_80, %dma_start3A_81] : memref<256x128xbf16, #tpu.memory_space<vmem>> -> memref<128x128xbf16, #tpu.memory_space<vmem>>
    %dma_start3A_83 = arith.constant 0 : i32
    %dma_start3A_84 = tpu.memref_slice %arg7[%dma_start3A_78, %dma_start3A_79, %dma_start3A_83] : memref<2x2x128xi32, #tpu.memory_space<vmem>> -> memref<1x1x128xi32, #tpu.memory_space<vmem>>
    %dma_start3A_85 = tpu.memref_squeeze %dma_start3A_84 : memref<1x1x128xi32, #tpu.memory_space<vmem>> -> memref<128xi32, #tpu.memory_space<vmem>>
    %dma_start3A_86 = arith.constant 0 : i32
    %dma_start3A_87 = arith.constant 0 : i32
    %dma_start3A_88 = tpu.memref_slice %arg13[%dma_start3A_86, %dma_start3A_87] : memref<10240x128xbf16, #tpu.memory_space<vmem_shared>> -> memref<10240x128xbf16, #tpu.memory_space<vmem_shared>>
    tpu.enqueue_indirect_dma source(%dma_start3A_88 : memref<10240x128xbf16, #tpu.memory_space<vmem_shared>>) target(%dma_start3A_82 : memref<128x128xbf16, #tpu.memory_space<vmem>>) offsets(%dma_start3A_85 : memref<128xi32, #tpu.memory_space<vmem>>) semaphore(%arg19 : memref<!tpu.dma_semaphore, #tpu.memory_space<semaphore_mem>>)
    %dma_start3A_89 = arith.constant 0 : i32
    %dma_start3A_90 = arith.constant 1 : i32
    %dma_start3A_91 = arith.constant 128 : i32
    %dma_start3A_92 = arith.constant 0 : i32
    %dma_start3A_93 = tpu.memref_slice %arg11[%dma_start3A_91, %dma_start3A_92] : memref<256x128xbf16, #tpu.memory_space<vmem>> -> memref<128x128xbf16, #tpu.memory_space<vmem>>
    %dma_start3A_94 = arith.constant 0 : i32
    %dma_start3A_95 = tpu.memref_slice %arg7[%dma_start3A_89, %dma_start3A_90, %dma_start3A_94] : memref<2x2x128xi32, #tpu.memory_space<vmem>> -> memref<1x1x128xi32, #tpu.memory_space<vmem>>
    %dma_start3A_96 = tpu.memref_squeeze %dma_start3A_95 : memref<1x1x128xi32, #tpu.memory_space<vmem>> -> memref<128xi32, #tpu.memory_space<vmem>>
    %dma_start3A_97 = arith.constant 0 : i32
    %dma_start3A_98 = arith.constant 0 : i32
    %dma_start3A_99 = tpu.memref_slice %arg13[%dma_start3A_97, %dma_start3A_98] : memref<10240x128xbf16, #tpu.memory_space<vmem_shared>> -> memref<10240x128xbf16, #tpu.memory_space<vmem_shared>>
    tpu.enqueue_indirect_dma source(%dma_start3A_99 : memref<10240x128xbf16, #tpu.memory_space<vmem_shared>>) target(%dma_start3A_93 : memref<128x128xbf16, #tpu.memory_space<vmem>>) offsets(%dma_start3A_96 : memref<128xi32, #tpu.memory_space<vmem>>) semaphore(%arg19 : memref<!tpu.dma_semaphore, #tpu.memory_space<semaphore_mem>>)
    %dma_start3A_100 = arith.constant 2 : i32
    %dma_start3A_101 = arith.constant 0 : i32
    %dma_start3A_102 = arith.constant 0 : i32
    %dma_start3A_103 = arith.constant 0 : i32
    %dma_start3A_104 = tpu.memref_slice %arg3[%arg0, %arg1, %dma_start3A_100, %dma_start3A_101, %dma_start3A_102, %dma_start3A_103] : memref<2x16x40x2x2x128xi32, #tpu.memory_space<hbm>> -> memref<1x1x1x2x2x128xi32, #tpu.memory_space<hbm>>
    %dma_start3A_105 = tpu.memref_squeeze %dma_start3A_104 : memref<1x1x1x2x2x128xi32, #tpu.memory_space<hbm>> -> memref<2x2x128xi32, #tpu.memory_space<hbm>>
    %dma_start3A_106 = arith.constant 0 : i32
    %dma_start3A_107 = arith.constant 0 : i32
    %dma_start3A_108 = arith.constant 0 : i32
    %dma_start3A_109 = tpu.memref_slice %arg3[%arg0, %arg1, %dma_start3A_100, %dma_start3A_106, %dma_start3A_107, %dma_start3A_108] : memref<2x16x40x2x2x128xi32, #tpu.memory_space<hbm>> -> memref<1x1x1x2x2x128xi32, #tpu.memory_space<hbm>>
    %dma_start3A_110 = tpu.memref_squeeze %dma_start3A_109 : memref<1x1x1x2x2x128xi32, #tpu.memory_space<hbm>> -> memref<2x2x128xi32, #tpu.memory_space<hbm>>
    tpu.enqueue_dma source(%dma_start3A_110 : memref<2x2x128xi32, #tpu.memory_space<hbm>>) target(%arg8 : memref<2x2x128xi32, #tpu.memory_space<vmem>>) target_semaphore(%arg16 : memref<!tpu.dma_semaphore, #tpu.memory_space<semaphore_mem>>)
    %dma_wait3A_111 = arith.constant 0 : i32
    %dma_wait3A_112 = arith.constant 0 : i32
    %dma_wait3A_113 = arith.constant 0 : i32
    %dma_wait3A_114 = arith.constant 0 : i32
    %dma_wait3A_115 = tpu.memref_slice %arg10[%dma_wait3A_113, %dma_wait3A_114] : memref<256x128xbf16, #tpu.memory_space<vmem>> -> memref<128x128xbf16, #tpu.memory_space<vmem>>
    %dma_wait3A_116 = arith.constant 0 : i32
    %dma_wait3A_117 = tpu.memref_slice %arg6[%dma_wait3A_111, %dma_wait3A_112, %dma_wait3A_116] : memref<2x2x128xi32, #tpu.memory_space<vmem>> -> memref<1x1x128xi32, #tpu.memory_space<vmem>>
    %dma_wait3A_118 = tpu.memref_squeeze %dma_wait3A_117 : memref<1x1x128xi32, #tpu.memory_space<vmem>> -> memref<128xi32, #tpu.memory_space<vmem>>
    %dma_wait3A_119 = arith.constant 0 : i32
    %dma_wait3A_120 = arith.constant 0 : i32
    %dma_wait3A_121 = tpu.memref_slice %arg13[%dma_wait3A_119, %dma_wait3A_120] : memref<10240x128xbf16, #tpu.memory_space<vmem_shared>> -> memref<10240x128xbf16, #tpu.memory_space<vmem_shared>>
    tpu.wait_indirect_dma semaphore(%arg18 : memref<!tpu.dma_semaphore, #tpu.memory_space<semaphore_mem>>) src(%dma_wait3A_121 : memref<10240x128xbf16, #tpu.memory_space<vmem_shared>>) dst(%dma_wait3A_115 : memref<128x128xbf16, #tpu.memory_space<vmem>>)
    %dma_wait3A_122 = arith.constant 0 : i32
    %dma_wait3A_123 = arith.constant 1 : i32
    %dma_wait3A_124 = arith.constant 128 : i32
    %dma_wait3A_125 = arith.constant 0 : i32
    %dma_wait3A_126 = tpu.memref_slice %arg10[%dma_wait3A_124, %dma_wait3A_125] : memref<256x128xbf16, #tpu.memory_space<vmem>> -> memref<128x128xbf16, #tpu.memory_space<vmem>>
    %dma_wait3A_127 = arith.constant 0 : i32
    %dma_wait3A_128 = tpu.memref_slice %arg6[%dma_wait3A_122, %dma_wait3A_123, %dma_wait3A_127] : memref<2x2x128xi32, #tpu.memory_space<vmem>> -> memref<1x1x128xi32, #tpu.memory_space<vmem>>
    %dma_wait3A_129 = tpu.memref_squeeze %dma_wait3A_128 : memref<1x1x128xi32, #tpu.memory_space<vmem>> -> memref<128xi32, #tpu.memory_space<vmem>>
    %dma_wait3A_130 = arith.constant 0 : i32
    %dma_wait3A_131 = arith.constant 0 : i32
    %dma_wait3A_132 = tpu.memref_slice %arg13[%dma_wait3A_130, %dma_wait3A_131] : memref<10240x128xbf16, #tpu.memory_space<vmem_shared>> -> memref<10240x128xbf16, #tpu.memory_space<vmem_shared>>
    tpu.wait_indirect_dma semaphore(%arg18 : memref<!tpu.dma_semaphore, #tpu.memory_space<semaphore_mem>>) src(%dma_wait3A_132 : memref<10240x128xbf16, #tpu.memory_space<vmem_shared>>) dst(%dma_wait3A_126 : memref<128x128xbf16, #tpu.memory_space<vmem>>)
    %dma_start3A_133 = arith.constant 1 : i32
    %dma_start3A_134 = arith.constant 0 : i32
    %dma_start3A_135 = arith.constant 0 : i32
    %dma_start3A_136 = arith.constant 0 : i32
    %dma_start3A_137 = tpu.memref_slice %arg10[%dma_start3A_135, %dma_start3A_136] : memref<256x128xbf16, #tpu.memory_space<vmem>> -> memref<128x128xbf16, #tpu.memory_space<vmem>>
    %dma_start3A_138 = arith.constant 0 : i32
    %dma_start3A_139 = tpu.memref_slice %arg6[%dma_start3A_133, %dma_start3A_134, %dma_start3A_138] : memref<2x2x128xi32, #tpu.memory_space<vmem>> -> memref<1x1x128xi32, #tpu.memory_space<vmem>>
    %dma_start3A_140 = tpu.memref_squeeze %dma_start3A_139 : memref<1x1x128xi32, #tpu.memory_space<vmem>> -> memref<128xi32, #tpu.memory_space<vmem>>
    %dma_start3A_141 = arith.constant 0 : i32
    %dma_start3A_142 = arith.constant 0 : i32
    %dma_start3A_143 = tpu.memref_slice %arg12[%dma_start3A_141, %dma_start3A_142] : memref<10496x128xbf16, #tpu.memory_space<vmem_shared>> -> memref<10496x128xbf16, #tpu.memory_space<vmem_shared>>
    tpu.enqueue_indirect_dma source(%dma_start3A_137 : memref<128x128xbf16, #tpu.memory_space<vmem>>) target(%dma_start3A_143 : memref<10496x128xbf16, #tpu.memory_space<vmem_shared>>) offsets(%dma_start3A_140 : memref<128xi32, #tpu.memory_space<vmem>>) semaphore(%arg20 : memref<!tpu.dma_semaphore, #tpu.memory_space<semaphore_mem>>) {add = true}
    %dma_start3A_144 = arith.constant 1 : i32
    %dma_start3A_145 = arith.constant 1 : i32
    %dma_start3A_146 = arith.constant 128 : i32
    %dma_start3A_147 = arith.constant 0 : i32
    %dma_start3A_148 = tpu.memref_slice %arg10[%dma_start3A_146, %dma_start3A_147] : memref<256x128xbf16, #tpu.memory_space<vmem>> -> memref<128x128xbf16, #tpu.memory_space<vmem>>
    %dma_start3A_149 = arith.constant 0 : i32
    %dma_start3A_150 = tpu.memref_slice %arg6[%dma_start3A_144, %dma_start3A_145, %dma_start3A_149] : memref<2x2x128xi32, #tpu.memory_space<vmem>> -> memref<1x1x128xi32, #tpu.memory_space<vmem>>
    %dma_start3A_151 = tpu.memref_squeeze %dma_start3A_150 : memref<1x1x128xi32, #tpu.memory_space<vmem>> -> memref<128xi32, #tpu.memory_space<vmem>>
    %dma_start3A_152 = arith.constant 0 : i32
    %dma_start3A_153 = arith.constant 0 : i32
    %dma_start3A_154 = tpu.memref_slice %arg12[%dma_start3A_152, %dma_start3A_153] : memref<10496x128xbf16, #tpu.memory_space<vmem_shared>> -> memref<10496x128xbf16, #tpu.memory_space<vmem_shared>>
    tpu.enqueue_indirect_dma source(%dma_start3A_148 : memref<128x128xbf16, #tpu.memory_space<vmem>>) target(%dma_start3A_154 : memref<10496x128xbf16, #tpu.memory_space<vmem_shared>>) offsets(%dma_start3A_151 : memref<128xi32, #tpu.memory_space<vmem>>) semaphore(%arg20 : memref<!tpu.dma_semaphore, #tpu.memory_space<semaphore_mem>>) {add = true}
    %dma_wait3A_155 = arith.constant 0 : i32
    %dma_wait3A_156 = arith.constant 0 : i32
    %dma_wait3A_157 = arith.constant 0 : i32
    %dma_wait3A_158 = arith.constant 0 : i32
    %dma_wait3A_159 = tpu.memref_slice %arg3[%arg0, %arg1, %dma_wait3A_155, %dma_wait3A_156, %dma_wait3A_157, %dma_wait3A_158] : memref<2x16x40x2x2x128xi32, #tpu.memory_space<hbm>> -> memref<1x1x1x2x2x128xi32, #tpu.memory_space<hbm>>
    %dma_wait3A_160 = tpu.memref_squeeze %dma_wait3A_159 : memref<1x1x1x2x2x128xi32, #tpu.memory_space<hbm>> -> memref<2x2x128xi32, #tpu.memory_space<hbm>>
    %dma_wait3A_161 = arith.constant 0 : i32
    %dma_wait3A_162 = arith.constant 0 : i32
    %dma_wait3A_163 = arith.constant 0 : i32
    %dma_wait3A_164 = tpu.memref_slice %arg3[%arg0, %arg1, %dma_wait3A_155, %dma_wait3A_161, %dma_wait3A_162, %dma_wait3A_163] : memref<2x16x40x2x2x128xi32, #tpu.memory_space<hbm>> -> memref<1x1x1x2x2x128xi32, #tpu.memory_space<hbm>>
    %dma_wait3A_165 = tpu.memref_squeeze %dma_wait3A_164 : memref<1x1x1x2x2x128xi32, #tpu.memory_space<hbm>> -> memref<2x2x128xi32, #tpu.memory_space<hbm>>
    tpu.wait_dma2 semaphore(%arg16 : memref<!tpu.dma_semaphore, #tpu.memory_space<semaphore_mem>>) src(%dma_wait3A_165 : memref<2x2x128xi32, #tpu.memory_space<hbm>>) dst(%arg8 : memref<2x2x128xi32, #tpu.memory_space<vmem>>)
    %dma_wait3A_166 = arith.constant 1 : i32
    %dma_wait3A_167 = arith.constant 0 : i32
    %dma_wait3A_168 = arith.constant 0 : i32
    %dma_wait3A_169 = arith.constant 0 : i32
    %dma_wait3A_170 = tpu.memref_slice %arg10[%dma_wait3A_168, %dma_wait3A_169] : memref<256x128xbf16, #tpu.memory_space<vmem>> -> memref<128x128xbf16, #tpu.memory_space<vmem>>
    %dma_wait3A_171 = arith.constant 0 : i32
    %dma_wait3A_172 = tpu.memref_slice %arg6[%dma_wait3A_166, %dma_wait3A_167, %dma_wait3A_171] : memref<2x2x128xi32, #tpu.memory_space<vmem>> -> memref<1x1x128xi32, #tpu.memory_space<vmem>>
    %dma_wait3A_173 = tpu.memref_squeeze %dma_wait3A_172 : memref<1x1x128xi32, #tpu.memory_space<vmem>> -> memref<128xi32, #tpu.memory_space<vmem>>
    %dma_wait3A_174 = arith.constant 0 : i32
    %dma_wait3A_175 = arith.constant 0 : i32
    %dma_wait3A_176 = tpu.memref_slice %arg12[%dma_wait3A_174, %dma_wait3A_175] : memref<10496x128xbf16, #tpu.memory_space<vmem_shared>> -> memref<10496x128xbf16, #tpu.memory_space<vmem_shared>>
    tpu.wait_indirect_dma semaphore(%arg20 : memref<!tpu.dma_semaphore, #tpu.memory_space<semaphore_mem>>) src(%dma_wait3A_170 : memref<128x128xbf16, #tpu.memory_space<vmem>>) dst(%dma_wait3A_176 : memref<10496x128xbf16, #tpu.memory_space<vmem_shared>>)
    %dma_wait3A_177 = arith.constant 1 : i32
    %dma_wait3A_178 = arith.constant 1 : i32
    %dma_wait3A_179 = arith.constant 128 : i32
    %dma_wait3A_180 = arith.constant 0 : i32
    %dma_wait3A_181 = tpu.memref_slice %arg10[%dma_wait3A_179, %dma_wait3A_180] : memref<256x128xbf16, #tpu.memory_space<vmem>> -> memref<128x128xbf16, #tpu.memory_space<vmem>>
    %dma_wait3A_182 = arith.constant 0 : i32
    %dma_wait3A_183 = tpu.memref_slice %arg6[%dma_wait3A_177, %dma_wait3A_178, %dma_wait3A_182] : memref<2x2x128xi32, #tpu.memory_space<vmem>> -> memref<1x1x128xi32, #tpu.memory_space<vmem>>
    %dma_wait3A_184 = tpu.memref_squeeze %dma_wait3A_183 : memref<1x1x128xi32, #tpu.memory_space<vmem>> -> memref<128xi32, #tpu.memory_space<vmem>>
    %dma_wait3A_185 = arith.constant 0 : i32
    %dma_wait3A_186 = arith.constant 0 : i32
    %dma_wait3A_187 = tpu.memref_slice %arg12[%dma_wait3A_185, %dma_wait3A_186] : memref<10496x128xbf16, #tpu.memory_space<vmem_shared>> -> memref<10496x128xbf16, #tpu.memory_space<vmem_shared>>
    tpu.wait_indirect_dma semaphore(%arg20 : memref<!tpu.dma_semaphore, #tpu.memory_space<semaphore_mem>>) src(%dma_wait3A_181 : memref<128x128xbf16, #tpu.memory_space<vmem>>) dst(%dma_wait3A_187 : memref<10496x128xbf16, #tpu.memory_space<vmem_shared>>)
    %dma_start3A_188 = arith.constant 0 : i32
    %dma_start3A_189 = arith.constant 0 : i32
    %dma_start3A_190 = arith.constant 0 : i32
    %dma_start3A_191 = arith.constant 0 : i32
    %dma_start3A_192 = tpu.memref_slice %arg10[%dma_start3A_190, %dma_start3A_191] : memref<256x128xbf16, #tpu.memory_space<vmem>> -> memref<128x128xbf16, #tpu.memory_space<vmem>>
    %dma_start3A_193 = arith.constant 0 : i32
    %dma_start3A_194 = tpu.memref_slice %arg8[%dma_start3A_188, %dma_start3A_189, %dma_start3A_193] : memref<2x2x128xi32, #tpu.memory_space<vmem>> -> memref<1x1x128xi32, #tpu.memory_space<vmem>>
    %dma_start3A_195 = tpu.memref_squeeze %dma_start3A_194 : memref<1x1x128xi32, #tpu.memory_space<vmem>> -> memref<128xi32, #tpu.memory_space<vmem>>
    %dma_start3A_196 = arith.constant 0 : i32
    %dma_start3A_197 = arith.constant 0 : i32
    %dma_start3A_198 = tpu.memref_slice %arg13[%dma_start3A_196, %dma_start3A_197] : memref<10240x128xbf16, #tpu.memory_space<vmem_shared>> -> memref<10240x128xbf16, #tpu.memory_space<vmem_shared>>
    tpu.enqueue_indirect_dma source(%dma_start3A_198 : memref<10240x128xbf16, #tpu.memory_space<vmem_shared>>) target(%dma_start3A_192 : memref<128x128xbf16, #tpu.memory_space<vmem>>) offsets(%dma_start3A_195 : memref<128xi32, #tpu.memory_space<vmem>>) semaphore(%arg18 : memref<!tpu.dma_semaphore, #tpu.memory_space<semaphore_mem>>)
    %dma_start3A_199 = arith.constant 0 : i32
    %dma_start3A_200 = arith.constant 1 : i32
    %dma_start3A_201 = arith.constant 128 : i32
    %dma_start3A_202 = arith.constant 0 : i32
    %dma_start3A_203 = tpu.memref_slice %arg10[%dma_start3A_201, %dma_start3A_202] : memref<256x128xbf16, #tpu.memory_space<vmem>> -> memref<128x128xbf16, #tpu.memory_space<vmem>>
    %dma_start3A_204 = arith.constant 0 : i32
    %dma_start3A_205 = tpu.memref_slice %arg8[%dma_start3A_199, %dma_start3A_200, %dma_start3A_204] : memref<2x2x128xi32, #tpu.memory_space<vmem>> -> memref<1x1x128xi32, #tpu.memory_space<vmem>>
    %dma_start3A_206 = tpu.memref_squeeze %dma_start3A_205 : memref<1x1x128xi32, #tpu.memory_space<vmem>> -> memref<128xi32, #tpu.memory_space<vmem>>
    %dma_start3A_207 = arith.constant 0 : i32
    %dma_start3A_208 = arith.constant 0 : i32
    %dma_start3A_209 = tpu.memref_slice %arg13[%dma_start3A_207, %dma_start3A_208] : memref<10240x128xbf16, #tpu.memory_space<vmem_shared>> -> memref<10240x128xbf16, #tpu.memory_space<vmem_shared>>
    tpu.enqueue_indirect_dma source(%dma_start3A_209 : memref<10240x128xbf16, #tpu.memory_space<vmem_shared>>) target(%dma_start3A_203 : memref<128x128xbf16, #tpu.memory_space<vmem>>) offsets(%dma_start3A_206 : memref<128xi32, #tpu.memory_space<vmem>>) semaphore(%arg18 : memref<!tpu.dma_semaphore, #tpu.memory_space<semaphore_mem>>)
    %dma_start3A_210 = arith.constant 3 : i32
    %dma_start3A_211 = arith.constant 0 : i32
    %dma_start3A_212 = arith.constant 0 : i32
    %dma_start3A_213 = arith.constant 0 : i32
    %dma_start3A_214 = tpu.memref_slice %arg3[%arg0, %arg1, %dma_start3A_210, %dma_start3A_211, %dma_start3A_212, %dma_start3A_213] : memref<2x16x40x2x2x128xi32, #tpu.memory_space<hbm>> -> memref<1x1x1x2x2x128xi32, #tpu.memory_space<hbm>>
    %dma_start3A_215 = tpu.memref_squeeze %dma_start3A_214 : memref<1x1x1x2x2x128xi32, #tpu.memory_space<hbm>> -> memref<2x2x128xi32, #tpu.memory_space<hbm>>
    %dma_start3A_216 = arith.constant 0 : i32
    %dma_start3A_217 = arith.constant 0 : i32
    %dma_start3A_218 = arith.constant 0 : i32
    %dma_start3A_219 = tpu.memref_slice %arg3[%arg0, %arg1, %dma_start3A_210, %dma_start3A_216, %dma_start3A_217, %dma_start3A_218] : memref<2x16x40x2x2x128xi32, #tpu.memory_space<hbm>> -> memref<1x1x1x2x2x128xi32, #tpu.memory_space<hbm>>
    %dma_start3A_220 = tpu.memref_squeeze %dma_start3A_219 : memref<1x1x1x2x2x128xi32, #tpu.memory_space<hbm>> -> memref<2x2x128xi32, #tpu.memory_space<hbm>>
    tpu.enqueue_dma source(%dma_start3A_220 : memref<2x2x128xi32, #tpu.memory_space<hbm>>) target(%arg9 : memref<2x2x128xi32, #tpu.memory_space<vmem>>) target_semaphore(%arg17 : memref<!tpu.dma_semaphore, #tpu.memory_space<semaphore_mem>>)
    %dma_wait3A_221 = arith.constant 0 : i32
    %dma_wait3A_222 = arith.constant 0 : i32
    %dma_wait3A_223 = arith.constant 0 : i32
    %dma_wait3A_224 = arith.constant 0 : i32
    %dma_wait3A_225 = tpu.memref_slice %arg11[%dma_wait3A_223, %dma_wait3A_224] : memref<256x128xbf16, #tpu.memory_space<vmem>> -> memref<128x128xbf16, #tpu.memory_space<vmem>>
    %dma_wait3A_226 = arith.constant 0 : i32
    %dma_wait3A_227 = tpu.memref_slice %arg7[%dma_wait3A_221, %dma_wait3A_222, %dma_wait3A_226] : memref<2x2x128xi32, #tpu.memory_space<vmem>> -> memref<1x1x128xi32, #tpu.memory_space<vmem>>
    %dma_wait3A_228 = tpu.memref_squeeze %dma_wait3A_227 : memref<1x1x128xi32, #tpu.memory_space<vmem>> -> memref<128xi32, #tpu.memory_space<vmem>>
    %dma_wait3A_229 = arith.constant 0 : i32
    %dma_wait3A_230 = arith.constant 0 : i32
    %dma_wait3A_231 = tpu.memref_slice %arg13[%dma_wait3A_229, %dma_wait3A_230] : memref<10240x128xbf16, #tpu.memory_space<vmem_shared>> -> memref<10240x128xbf16, #tpu.memory_space<vmem_shared>>
    tpu.wait_indirect_dma semaphore(%arg19 : memref<!tpu.dma_semaphore, #tpu.memory_space<semaphore_mem>>) src(%dma_wait3A_231 : memref<10240x128xbf16, #tpu.memory_space<vmem_shared>>) dst(%dma_wait3A_225 : memref<128x128xbf16, #tpu.memory_space<vmem>>)
    %dma_wait3A_232 = arith.constant 0 : i32
    %dma_wait3A_233 = arith.constant 1 : i32
    %dma_wait3A_234 = arith.constant 128 : i32
    %dma_wait3A_235 = arith.constant 0 : i32
    %dma_wait3A_236 = tpu.memref_slice %arg11[%dma_wait3A_234, %dma_wait3A_235] : memref<256x128xbf16, #tpu.memory_space<vmem>> -> memref<128x128xbf16, #tpu.memory_space<vmem>>
    %dma_wait3A_237 = arith.constant 0 : i32
    %dma_wait3A_238 = tpu.memref_slice %arg7[%dma_wait3A_232, %dma_wait3A_233, %dma_wait3A_237] : memref<2x2x128xi32, #tpu.memory_space<vmem>> -> memref<1x1x128xi32, #tpu.memory_space<vmem>>
    %dma_wait3A_239 = tpu.memref_squeeze %dma_wait3A_238 : memref<1x1x128xi32, #tpu.memory_space<vmem>> -> memref<128xi32, #tpu.memory_space<vmem>>
    %dma_wait3A_240 = arith.constant 0 : i32
    %dma_wait3A_241 = arith.constant 0 : i32
    %dma_wait3A_242 = tpu.memref_slice %arg13[%dma_wait3A_240, %dma_wait3A_241] : memref<10240x128xbf16, #tpu.memory_space<vmem_shared>> -> memref<10240x128xbf16, #tpu.memory_space<vmem_shared>>
    tpu.wait_indirect_dma semaphore(%arg19 : memref<!tpu.dma_semaphore, #tpu.memory_space<semaphore_mem>>) src(%dma_wait3A_242 : memref<10240x128xbf16, #tpu.memory_space<vmem_shared>>) dst(%dma_wait3A_236 : memref<128x128xbf16, #tpu.memory_space<vmem>>)
    %dma_start3A_243 = arith.constant 1 : i32
    %dma_start3A_244 = arith.constant 0 : i32
    %dma_start3A_245 = arith.constant 0 : i32
    %dma_start3A_246 = arith.constant 0 : i32
    %dma_start3A_247 = tpu.memref_slice %arg11[%dma_start3A_245, %dma_start3A_246] : memref<256x128xbf16, #tpu.memory_space<vmem>> -> memref<128x128xbf16, #tpu.memory_space<vmem>>
    %dma_start3A_248 = arith.constant 0 : i32
    %dma_start3A_249 = tpu.memref_slice %arg7[%dma_start3A_243, %dma_start3A_244, %dma_start3A_248] : memref<2x2x128xi32, #tpu.memory_space<vmem>> -> memref<1x1x128xi32, #tpu.memory_space<vmem>>
    %dma_start3A_250 = tpu.memref_squeeze %dma_start3A_249 : memref<1x1x128xi32, #tpu.memory_space<vmem>> -> memref<128xi32, #tpu.memory_space<vmem>>
    %dma_start3A_251 = arith.constant 0 : i32
    %dma_start3A_252 = arith.constant 0 : i32
    %dma_start3A_253 = tpu.memref_slice %arg12[%dma_start3A_251, %dma_start3A_252] : memref<10496x128xbf16, #tpu.memory_space<vmem_shared>> -> memref<10496x128xbf16, #tpu.memory_space<vmem_shared>>
    tpu.enqueue_indirect_dma source(%dma_start3A_247 : memref<128x128xbf16, #tpu.memory_space<vmem>>) target(%dma_start3A_253 : memref<10496x128xbf16, #tpu.memory_space<vmem_shared>>) offsets(%dma_start3A_250 : memref<128xi32, #tpu.memory_space<vmem>>) semaphore(%arg21 : memref<!tpu.dma_semaphore, #tpu.memory_space<semaphore_mem>>) {add = true}
    %dma_start3A_254 = arith.constant 1 : i32
    %dma_start3A_255 = arith.constant 1 : i32
    %dma_start3A_256 = arith.constant 128 : i32
    %dma_start3A_257 = arith.constant 0 : i32
    %dma_start3A_258 = tpu.memref_slice %arg11[%dma_start3A_256, %dma_start3A_257] : memref<256x128xbf16, #tpu.memory_space<vmem>> -> memref<128x128xbf16, #tpu.memory_space<vmem>>
    %dma_start3A_259 = arith.constant 0 : i32
    %dma_start3A_260 = tpu.memref_slice %arg7[%dma_start3A_254, %dma_start3A_255, %dma_start3A_259] : memref<2x2x128xi32, #tpu.memory_space<vmem>> -> memref<1x1x128xi32, #tpu.memory_space<vmem>>
    %dma_start3A_261 = tpu.memref_squeeze %dma_start3A_260 : memref<1x1x128xi32, #tpu.memory_space<vmem>> -> memref<128xi32, #tpu.memory_space<vmem>>
    %dma_start3A_262 = arith.constant 0 : i32
    %dma_start3A_263 = arith.constant 0 : i32
    %dma_start3A_264 = tpu.memref_slice %arg12[%dma_start3A_262, %dma_start3A_263] : memref<10496x128xbf16, #tpu.memory_space<vmem_shared>> -> memref<10496x128xbf16, #tpu.memory_space<vmem_shared>>
    tpu.enqueue_indirect_dma source(%dma_start3A_258 : memref<128x128xbf16, #tpu.memory_space<vmem>>) target(%dma_start3A_264 : memref<10496x128xbf16, #tpu.memory_space<vmem_shared>>) offsets(%dma_start3A_261 : memref<128xi32, #tpu.memory_space<vmem>>) semaphore(%arg21 : memref<!tpu.dma_semaphore, #tpu.memory_space<semaphore_mem>>) {add = true}
    %scan3A = arith.constant 0 : i32
    %scan3A_265 = arith.constant 0 : i32
    %scan3A_266 = arith.constant 9 : i32
    %scan3A_267 = arith.addi %scan3A_265, %scan3A_266 : i32
    %scan3A_268 = arith.constant 1 : i32
    scf.for %scan3A_470 = %scan3A_265 to %scan3A_267 step %scan3A_268  : i32 {
      %mul3A_471 = arith.constant 4 : i32
      %mul3A_472 = arith.muli %scan3A_470, %mul3A_471 : i32
      %add3A_473 = arith.constant 2 : i32
      %add3A_474 = arith.addi %add3A_473, %mul3A_472 : i32
      %add3A_475 = arith.constant 0 : i32
      %add3A_476 = arith.addi %add3A_474, %add3A_475 : i32
      %dma_wait3A_477 = arith.constant 0 : i32
      %dma_wait3A_478 = arith.constant 0 : i32
      %dma_wait3A_479 = arith.constant 0 : i32
      %dma_wait3A_480 = arith.constant 0 : i32
      %dma_wait3A_481 = tpu.memref_slice %arg3[%arg0, %arg1, %dma_wait3A_477, %dma_wait3A_478, %dma_wait3A_479, %dma_wait3A_480] : memref<2x16x40x2x2x128xi32, #tpu.memory_space<hbm>> -> memref<1x1x1x2x2x128xi32, #tpu.memory_space<hbm>>
      %dma_wait3A_482 = tpu.memref_squeeze %dma_wait3A_481 : memref<1x1x1x2x2x128xi32, #tpu.memory_space<hbm>> -> memref<2x2x128xi32, #tpu.memory_space<hbm>>
      %dma_wait3A_483 = arith.constant 0 : i32
      %dma_wait3A_484 = arith.constant 0 : i32
      %dma_wait3A_485 = arith.constant 0 : i32
      %dma_wait3A_486 = tpu.memref_slice %arg3[%arg0, %arg1, %dma_wait3A_477, %dma_wait3A_483, %dma_wait3A_484, %dma_wait3A_485] : memref<2x16x40x2x2x128xi32, #tpu.memory_space<hbm>> -> memref<1x1x1x2x2x128xi32, #tpu.memory_space<hbm>>
      %dma_wait3A_487 = tpu.memref_squeeze %dma_wait3A_486 : memref<1x1x1x2x2x128xi32, #tpu.memory_space<hbm>> -> memref<2x2x128xi32, #tpu.memory_space<hbm>>
      tpu.wait_dma2 semaphore(%arg17 : memref<!tpu.dma_semaphore, #tpu.memory_space<semaphore_mem>>) src(%dma_wait3A_487 : memref<2x2x128xi32, #tpu.memory_space<hbm>>) dst(%arg9 : memref<2x2x128xi32, #tpu.memory_space<vmem>>)
      %dma_wait3A_488 = arith.constant 1 : i32
      %dma_wait3A_489 = arith.constant 0 : i32
      %dma_wait3A_490 = arith.constant 0 : i32
      %dma_wait3A_491 = arith.constant 0 : i32
      %dma_wait3A_492 = tpu.memref_slice %arg11[%dma_wait3A_490, %dma_wait3A_491] : memref<256x128xbf16, #tpu.memory_space<vmem>> -> memref<128x128xbf16, #tpu.memory_space<vmem>>
      %dma_wait3A_493 = arith.constant 0 : i32
      %dma_wait3A_494 = tpu.memref_slice %arg7[%dma_wait3A_488, %dma_wait3A_489, %dma_wait3A_493] : memref<2x2x128xi32, #tpu.memory_space<vmem>> -> memref<1x1x128xi32, #tpu.memory_space<vmem>>
      %dma_wait3A_495 = tpu.memref_squeeze %dma_wait3A_494 : memref<1x1x128xi32, #tpu.memory_space<vmem>> -> memref<128xi32, #tpu.memory_space<vmem>>
      %dma_wait3A_496 = arith.constant 0 : i32
      %dma_wait3A_497 = arith.constant 0 : i32
      %dma_wait3A_498 = tpu.memref_slice %arg12[%dma_wait3A_496, %dma_wait3A_497] : memref<10496x128xbf16, #tpu.memory_space<vmem_shared>> -> memref<10496x128xbf16, #tpu.memory_space<vmem_shared>>
      tpu.wait_indirect_dma semaphore(%arg21 : memref<!tpu.dma_semaphore, #tpu.memory_space<semaphore_mem>>) src(%dma_wait3A_492 : memref<128x128xbf16, #tpu.memory_space<vmem>>) dst(%dma_wait3A_498 : memref<10496x128xbf16, #tpu.memory_space<vmem_shared>>)
      %dma_wait3A_499 = arith.constant 1 : i32
      %dma_wait3A_500 = arith.constant 1 : i32
      %dma_wait3A_501 = arith.constant 128 : i32
      %dma_wait3A_502 = arith.constant 0 : i32
      %dma_wait3A_503 = tpu.memref_slice %arg11[%dma_wait3A_501, %dma_wait3A_502] : memref<256x128xbf16, #tpu.memory_space<vmem>> -> memref<128x128xbf16, #tpu.memory_space<vmem>>
      %dma_wait3A_504 = arith.constant 0 : i32
      %dma_wait3A_505 = tpu.memref_slice %arg7[%dma_wait3A_499, %dma_wait3A_500, %dma_wait3A_504] : memref<2x2x128xi32, #tpu.memory_space<vmem>> -> memref<1x1x128xi32, #tpu.memory_space<vmem>>
      %dma_wait3A_506 = tpu.memref_squeeze %dma_wait3A_505 : memref<1x1x128xi32, #tpu.memory_space<vmem>> -> memref<128xi32, #tpu.memory_space<vmem>>
      %dma_wait3A_507 = arith.constant 0 : i32
      %dma_wait3A_508 = arith.constant 0 : i32
      %dma_wait3A_509 = tpu.memref_slice %arg12[%dma_wait3A_507, %dma_wait3A_508] : memref<10496x128xbf16, #tpu.memory_space<vmem_shared>> -> memref<10496x128xbf16, #tpu.memory_space<vmem_shared>>
      tpu.wait_indirect_dma semaphore(%arg21 : memref<!tpu.dma_semaphore, #tpu.memory_space<semaphore_mem>>) src(%dma_wait3A_503 : memref<128x128xbf16, #tpu.memory_space<vmem>>) dst(%dma_wait3A_509 : memref<10496x128xbf16, #tpu.memory_space<vmem_shared>>)
      %dma_start3A_510 = arith.constant 0 : i32
      %dma_start3A_511 = arith.constant 0 : i32
      %dma_start3A_512 = arith.constant 0 : i32
      %dma_start3A_513 = arith.constant 0 : i32
      %dma_start3A_514 = tpu.memref_slice %arg11[%dma_start3A_512, %dma_start3A_513] : memref<256x128xbf16, #tpu.memory_space<vmem>> -> memref<128x128xbf16, #tpu.memory_space<vmem>>
      %dma_start3A_515 = arith.constant 0 : i32
      %dma_start3A_516 = tpu.memref_slice %arg9[%dma_start3A_510, %dma_start3A_511, %dma_start3A_515] : memref<2x2x128xi32, #tpu.memory_space<vmem>> -> memref<1x1x128xi32, #tpu.memory_space<vmem>>
      %dma_start3A_517 = tpu.memref_squeeze %dma_start3A_516 : memref<1x1x128xi32, #tpu.memory_space<vmem>> -> memref<128xi32, #tpu.memory_space<vmem>>
      %dma_start3A_518 = arith.constant 0 : i32
      %dma_start3A_519 = arith.constant 0 : i32
      %dma_start3A_520 = tpu.memref_slice %arg13[%dma_start3A_518, %dma_start3A_519] : memref<10240x128xbf16, #tpu.memory_space<vmem_shared>> -> memref<10240x128xbf16, #tpu.memory_space<vmem_shared>>
      tpu.enqueue_indirect_dma source(%dma_start3A_520 : memref<10240x128xbf16, #tpu.memory_space<vmem_shared>>) target(%dma_start3A_514 : memref<128x128xbf16, #tpu.memory_space<vmem>>) offsets(%dma_start3A_517 : memref<128xi32, #tpu.memory_space<vmem>>) semaphore(%arg19 : memref<!tpu.dma_semaphore, #tpu.memory_space<semaphore_mem>>)
      %dma_start3A_521 = arith.constant 0 : i32
      %dma_start3A_522 = arith.constant 1 : i32
      %dma_start3A_523 = arith.constant 128 : i32
      %dma_start3A_524 = arith.constant 0 : i32
      %dma_start3A_525 = tpu.memref_slice %arg11[%dma_start3A_523, %dma_start3A_524] : memref<256x128xbf16, #tpu.memory_space<vmem>> -> memref<128x128xbf16, #tpu.memory_space<vmem>>
      %dma_start3A_526 = arith.constant 0 : i32
      %dma_start3A_527 = tpu.memref_slice %arg9[%dma_start3A_521, %dma_start3A_522, %dma_start3A_526] : memref<2x2x128xi32, #tpu.memory_space<vmem>> -> memref<1x1x128xi32, #tpu.memory_space<vmem>>
      %dma_start3A_528 = tpu.memref_squeeze %dma_start3A_527 : memref<1x1x128xi32, #tpu.memory_space<vmem>> -> memref<128xi32, #tpu.memory_space<vmem>>
      %dma_start3A_529 = arith.constant 0 : i32
      %dma_start3A_530 = arith.constant 0 : i32
      %dma_start3A_531 = tpu.memref_slice %arg13[%dma_start3A_529, %dma_start3A_530] : memref<10240x128xbf16, #tpu.memory_space<vmem_shared>> -> memref<10240x128xbf16, #tpu.memory_space<vmem_shared>>
      tpu.enqueue_indirect_dma source(%dma_start3A_531 : memref<10240x128xbf16, #tpu.memory_space<vmem_shared>>) target(%dma_start3A_525 : memref<128x128xbf16, #tpu.memory_space<vmem>>) offsets(%dma_start3A_528 : memref<128xi32, #tpu.memory_space<vmem>>) semaphore(%arg19 : memref<!tpu.dma_semaphore, #tpu.memory_space<semaphore_mem>>)
      %add3A_532 = arith.constant 2 : i32
      %add3A_533 = arith.addi %add3A_476, %add3A_532 : i32
      %dma_start3A_534 = arith.constant 0 : i32
      %dma_start3A_535 = arith.constant 0 : i32
      %dma_start3A_536 = arith.constant 0 : i32
      %dma_start3A_537 = tpu.memref_slice %arg3[%arg0, %arg1, %add3A_533, %dma_start3A_534, %dma_start3A_535, %dma_start3A_536] : memref<2x16x40x2x2x128xi32, #tpu.memory_space<hbm>> -> memref<1x1x1x2x2x128xi32, #tpu.memory_space<hbm>>
      %dma_start3A_538 = tpu.memref_squeeze %dma_start3A_537 : memref<1x1x1x2x2x128xi32, #tpu.memory_space<hbm>> -> memref<2x2x128xi32, #tpu.memory_space<hbm>>
      %dma_start3A_539 = arith.constant 0 : i32
      %dma_start3A_540 = arith.constant 0 : i32
      %dma_start3A_541 = arith.constant 0 : i32
      %dma_start3A_542 = tpu.memref_slice %arg3[%arg0, %arg1, %add3A_533, %dma_start3A_539, %dma_start3A_540, %dma_start3A_541] : memref<2x16x40x2x2x128xi32, #tpu.memory_space<hbm>> -> memref<1x1x1x2x2x128xi32, #tpu.memory_space<hbm>>
      %dma_start3A_543 = tpu.memref_squeeze %dma_start3A_542 : memref<1x1x1x2x2x128xi32, #tpu.memory_space<hbm>> -> memref<2x2x128xi32, #tpu.memory_space<hbm>>
      tpu.enqueue_dma source(%dma_start3A_543 : memref<2x2x128xi32, #tpu.memory_space<hbm>>) target(%arg6 : memref<2x2x128xi32, #tpu.memory_space<vmem>>) target_semaphore(%arg14 : memref<!tpu.dma_semaphore, #tpu.memory_space<semaphore_mem>>)
      %dma_wait3A_544 = arith.constant 0 : i32
      %dma_wait3A_545 = arith.constant 0 : i32
      %dma_wait3A_546 = arith.constant 0 : i32
      %dma_wait3A_547 = arith.constant 0 : i32
      %dma_wait3A_548 = tpu.memref_slice %arg10[%dma_wait3A_546, %dma_wait3A_547] : memref<256x128xbf16, #tpu.memory_space<vmem>> -> memref<128x128xbf16, #tpu.memory_space<vmem>>
      %dma_wait3A_549 = arith.constant 0 : i32
      %dma_wait3A_550 = tpu.memref_slice %arg8[%dma_wait3A_544, %dma_wait3A_545, %dma_wait3A_549] : memref<2x2x128xi32, #tpu.memory_space<vmem>> -> memref<1x1x128xi32, #tpu.memory_space<vmem>>
      %dma_wait3A_551 = tpu.memref_squeeze %dma_wait3A_550 : memref<1x1x128xi32, #tpu.memory_space<vmem>> -> memref<128xi32, #tpu.memory_space<vmem>>
      %dma_wait3A_552 = arith.constant 0 : i32
      %dma_wait3A_553 = arith.constant 0 : i32
      %dma_wait3A_554 = tpu.memref_slice %arg13[%dma_wait3A_552, %dma_wait3A_553] : memref<10240x128xbf16, #tpu.memory_space<vmem_shared>> -> memref<10240x128xbf16, #tpu.memory_space<vmem_shared>>
      tpu.wait_indirect_dma semaphore(%arg18 : memref<!tpu.dma_semaphore, #tpu.memory_space<semaphore_mem>>) src(%dma_wait3A_554 : memref<10240x128xbf16, #tpu.memory_space<vmem_shared>>) dst(%dma_wait3A_548 : memref<128x128xbf16, #tpu.memory_space<vmem>>)
      %dma_wait3A_555 = arith.constant 0 : i32
      %dma_wait3A_556 = arith.constant 1 : i32
      %dma_wait3A_557 = arith.constant 128 : i32
      %dma_wait3A_558 = arith.constant 0 : i32
      %dma_wait3A_559 = tpu.memref_slice %arg10[%dma_wait3A_557, %dma_wait3A_558] : memref<256x128xbf16, #tpu.memory_space<vmem>> -> memref<128x128xbf16, #tpu.memory_space<vmem>>
      %dma_wait3A_560 = arith.constant 0 : i32
      %dma_wait3A_561 = tpu.memref_slice %arg8[%dma_wait3A_555, %dma_wait3A_556, %dma_wait3A_560] : memref<2x2x128xi32, #tpu.memory_space<vmem>> -> memref<1x1x128xi32, #tpu.memory_space<vmem>>
      %dma_wait3A_562 = tpu.memref_squeeze %dma_wait3A_561 : memref<1x1x128xi32, #tpu.memory_space<vmem>> -> memref<128xi32, #tpu.memory_space<vmem>>
      %dma_wait3A_563 = arith.constant 0 : i32
      %dma_wait3A_564 = arith.constant 0 : i32
      %dma_wait3A_565 = tpu.memref_slice %arg13[%dma_wait3A_563, %dma_wait3A_564] : memref<10240x128xbf16, #tpu.memory_space<vmem_shared>> -> memref<10240x128xbf16, #tpu.memory_space<vmem_shared>>
      tpu.wait_indirect_dma semaphore(%arg18 : memref<!tpu.dma_semaphore, #tpu.memory_space<semaphore_mem>>) src(%dma_wait3A_565 : memref<10240x128xbf16, #tpu.memory_space<vmem_shared>>) dst(%dma_wait3A_559 : memref<128x128xbf16, #tpu.memory_space<vmem>>)
      %dma_start3A_566 = arith.constant 1 : i32
      %dma_start3A_567 = arith.constant 0 : i32
      %dma_start3A_568 = arith.constant 0 : i32
      %dma_start3A_569 = arith.constant 0 : i32
      %dma_start3A_570 = tpu.memref_slice %arg10[%dma_start3A_568, %dma_start3A_569] : memref<256x128xbf16, #tpu.memory_space<vmem>> -> memref<128x128xbf16, #tpu.memory_space<vmem>>
      %dma_start3A_571 = arith.constant 0 : i32
      %dma_start3A_572 = tpu.memref_slice %arg8[%dma_start3A_566, %dma_start3A_567, %dma_start3A_571] : memref<2x2x128xi32, #tpu.memory_space<vmem>> -> memref<1x1x128xi32, #tpu.memory_space<vmem>>
      %dma_start3A_573 = tpu.memref_squeeze %dma_start3A_572 : memref<1x1x128xi32, #tpu.memory_space<vmem>> -> memref<128xi32, #tpu.memory_space<vmem>>
      %dma_start3A_574 = arith.constant 0 : i32
      %dma_start3A_575 = arith.constant 0 : i32
      %dma_start3A_576 = tpu.memref_slice %arg12[%dma_start3A_574, %dma_start3A_575] : memref<10496x128xbf16, #tpu.memory_space<vmem_shared>> -> memref<10496x128xbf16, #tpu.memory_space<vmem_shared>>
      tpu.enqueue_indirect_dma source(%dma_start3A_570 : memref<128x128xbf16, #tpu.memory_space<vmem>>) target(%dma_start3A_576 : memref<10496x128xbf16, #tpu.memory_space<vmem_shared>>) offsets(%dma_start3A_573 : memref<128xi32, #tpu.memory_space<vmem>>) semaphore(%arg20 : memref<!tpu.dma_semaphore, #tpu.memory_space<semaphore_mem>>) {add = true}
      %dma_start3A_577 = arith.constant 1 : i32
      %dma_start3A_578 = arith.constant 1 : i32
      %dma_start3A_579 = arith.constant 128 : i32
      %dma_start3A_580 = arith.constant 0 : i32
      %dma_start3A_581 = tpu.memref_slice %arg10[%dma_start3A_579, %dma_start3A_580] : memref<256x128xbf16, #tpu.memory_space<vmem>> -> memref<128x128xbf16, #tpu.memory_space<vmem>>
      %dma_start3A_582 = arith.constant 0 : i32
      %dma_start3A_583 = tpu.memref_slice %arg8[%dma_start3A_577, %dma_start3A_578, %dma_start3A_582] : memref<2x2x128xi32, #tpu.memory_space<vmem>> -> memref<1x1x128xi32, #tpu.memory_space<vmem>>
      %dma_start3A_584 = tpu.memref_squeeze %dma_start3A_583 : memref<1x1x128xi32, #tpu.memory_space<vmem>> -> memref<128xi32, #tpu.memory_space<vmem>>
      %dma_start3A_585 = arith.constant 0 : i32
      %dma_start3A_586 = arith.constant 0 : i32
      %dma_start3A_587 = tpu.memref_slice %arg12[%dma_start3A_585, %dma_start3A_586] : memref<10496x128xbf16, #tpu.memory_space<vmem_shared>> -> memref<10496x128xbf16, #tpu.memory_space<vmem_shared>>
      tpu.enqueue_indirect_dma source(%dma_start3A_581 : memref<128x128xbf16, #tpu.memory_space<vmem>>) target(%dma_start3A_587 : memref<10496x128xbf16, #tpu.memory_space<vmem_shared>>) offsets(%dma_start3A_584 : memref<128xi32, #tpu.memory_space<vmem>>) semaphore(%arg20 : memref<!tpu.dma_semaphore, #tpu.memory_space<semaphore_mem>>) {add = true}
      %mul3A_588 = arith.constant 4 : i32
      %mul3A_589 = arith.muli %scan3A_470, %mul3A_588 : i32
      %add3A_590 = arith.constant 2 : i32
      %add3A_591 = arith.addi %add3A_590, %mul3A_589 : i32
      %add3A_592 = arith.constant 1 : i32
      %add3A_593 = arith.addi %add3A_591, %add3A_592 : i32
      %dma_wait3A_594 = arith.constant 0 : i32
      %dma_wait3A_595 = arith.constant 0 : i32
      %dma_wait3A_596 = arith.constant 0 : i32
      %dma_wait3A_597 = arith.constant 0 : i32
      %dma_wait3A_598 = tpu.memref_slice %arg3[%arg0, %arg1, %dma_wait3A_594, %dma_wait3A_595, %dma_wait3A_596, %dma_wait3A_597] : memref<2x16x40x2x2x128xi32, #tpu.memory_space<hbm>> -> memref<1x1x1x2x2x128xi32, #tpu.memory_space<hbm>>
      %dma_wait3A_599 = tpu.memref_squeeze %dma_wait3A_598 : memref<1x1x1x2x2x128xi32, #tpu.memory_space<hbm>> -> memref<2x2x128xi32, #tpu.memory_space<hbm>>
      %dma_wait3A_600 = arith.constant 0 : i32
      %dma_wait3A_601 = arith.constant 0 : i32
      %dma_wait3A_602 = arith.constant 0 : i32
      %dma_wait3A_603 = tpu.memref_slice %arg3[%arg0, %arg1, %dma_wait3A_594, %dma_wait3A_600, %dma_wait3A_601, %dma_wait3A_602] : memref<2x16x40x2x2x128xi32, #tpu.memory_space<hbm>> -> memref<1x1x1x2x2x128xi32, #tpu.memory_space<hbm>>
      %dma_wait3A_604 = tpu.memref_squeeze %dma_wait3A_603 : memref<1x1x1x2x2x128xi32, #tpu.memory_space<hbm>> -> memref<2x2x128xi32, #tpu.memory_space<hbm>>
      tpu.wait_dma2 semaphore(%arg14 : memref<!tpu.dma_semaphore, #tpu.memory_space<semaphore_mem>>) src(%dma_wait3A_604 : memref<2x2x128xi32, #tpu.memory_space<hbm>>) dst(%arg6 : memref<2x2x128xi32, #tpu.memory_space<vmem>>)
      %dma_wait3A_605 = arith.constant 1 : i32
      %dma_wait3A_606 = arith.constant 0 : i32
      %dma_wait3A_607 = arith.constant 0 : i32
      %dma_wait3A_608 = arith.constant 0 : i32
      %dma_wait3A_609 = tpu.memref_slice %arg10[%dma_wait3A_607, %dma_wait3A_608] : memref<256x128xbf16, #tpu.memory_space<vmem>> -> memref<128x128xbf16, #tpu.memory_space<vmem>>
      %dma_wait3A_610 = arith.constant 0 : i32
      %dma_wait3A_611 = tpu.memref_slice %arg8[%dma_wait3A_605, %dma_wait3A_606, %dma_wait3A_610] : memref<2x2x128xi32, #tpu.memory_space<vmem>> -> memref<1x1x128xi32, #tpu.memory_space<vmem>>
      %dma_wait3A_612 = tpu.memref_squeeze %dma_wait3A_611 : memref<1x1x128xi32, #tpu.memory_space<vmem>> -> memref<128xi32, #tpu.memory_space<vmem>>
      %dma_wait3A_613 = arith.constant 0 : i32
      %dma_wait3A_614 = arith.constant 0 : i32
      %dma_wait3A_615 = tpu.memref_slice %arg12[%dma_wait3A_613, %dma_wait3A_614] : memref<10496x128xbf16, #tpu.memory_space<vmem_shared>> -> memref<10496x128xbf16, #tpu.memory_space<vmem_shared>>
      tpu.wait_indirect_dma semaphore(%arg20 : memref<!tpu.dma_semaphore, #tpu.memory_space<semaphore_mem>>) src(%dma_wait3A_609 : memref<128x128xbf16, #tpu.memory_space<vmem>>) dst(%dma_wait3A_615 : memref<10496x128xbf16, #tpu.memory_space<vmem_shared>>)
      %dma_wait3A_616 = arith.constant 1 : i32
      %dma_wait3A_617 = arith.constant 1 : i32
      %dma_wait3A_618 = arith.constant 128 : i32
      %dma_wait3A_619 = arith.constant 0 : i32
      %dma_wait3A_620 = tpu.memref_slice %arg10[%dma_wait3A_618, %dma_wait3A_619] : memref<256x128xbf16, #tpu.memory_space<vmem>> -> memref<128x128xbf16, #tpu.memory_space<vmem>>
      %dma_wait3A_621 = arith.constant 0 : i32
      %dma_wait3A_622 = tpu.memref_slice %arg8[%dma_wait3A_616, %dma_wait3A_617, %dma_wait3A_621] : memref<2x2x128xi32, #tpu.memory_space<vmem>> -> memref<1x1x128xi32, #tpu.memory_space<vmem>>
      %dma_wait3A_623 = tpu.memref_squeeze %dma_wait3A_622 : memref<1x1x128xi32, #tpu.memory_space<vmem>> -> memref<128xi32, #tpu.memory_space<vmem>>
      %dma_wait3A_624 = arith.constant 0 : i32
      %dma_wait3A_625 = arith.constant 0 : i32
      %dma_wait3A_626 = tpu.memref_slice %arg12[%dma_wait3A_624, %dma_wait3A_625] : memref<10496x128xbf16, #tpu.memory_space<vmem_shared>> -> memref<10496x128xbf16, #tpu.memory_space<vmem_shared>>
      tpu.wait_indirect_dma semaphore(%arg20 : memref<!tpu.dma_semaphore, #tpu.memory_space<semaphore_mem>>) src(%dma_wait3A_620 : memref<128x128xbf16, #tpu.memory_space<vmem>>) dst(%dma_wait3A_626 : memref<10496x128xbf16, #tpu.memory_space<vmem_shared>>)
      %dma_start3A_627 = arith.constant 0 : i32
      %dma_start3A_628 = arith.constant 0 : i32
      %dma_start3A_629 = arith.constant 0 : i32
      %dma_start3A_630 = arith.constant 0 : i32
      %dma_start3A_631 = tpu.memref_slice %arg10[%dma_start3A_629, %dma_start3A_630] : memref<256x128xbf16, #tpu.memory_space<vmem>> -> memref<128x128xbf16, #tpu.memory_space<vmem>>
      %dma_start3A_632 = arith.constant 0 : i32
      %dma_start3A_633 = tpu.memref_slice %arg6[%dma_start3A_627, %dma_start3A_628, %dma_start3A_632] : memref<2x2x128xi32, #tpu.memory_space<vmem>> -> memref<1x1x128xi32, #tpu.memory_space<vmem>>
      %dma_start3A_634 = tpu.memref_squeeze %dma_start3A_633 : memref<1x1x128xi32, #tpu.memory_space<vmem>> -> memref<128xi32, #tpu.memory_space<vmem>>
      %dma_start3A_635 = arith.constant 0 : i32
      %dma_start3A_636 = arith.constant 0 : i32
      %dma_start3A_637 = tpu.memref_slice %arg13[%dma_start3A_635, %dma_start3A_636] : memref<10240x128xbf16, #tpu.memory_space<vmem_shared>> -> memref<10240x128xbf16, #tpu.memory_space<vmem_shared>>
      tpu.enqueue_indirect_dma source(%dma_start3A_637 : memref<10240x128xbf16, #tpu.memory_space<vmem_shared>>) target(%dma_start3A_631 : memref<128x128xbf16, #tpu.memory_space<vmem>>) offsets(%dma_start3A_634 : memref<128xi32, #tpu.memory_space<vmem>>) semaphore(%arg18 : memref<!tpu.dma_semaphore, #tpu.memory_space<semaphore_mem>>)
      %dma_start3A_638 = arith.constant 0 : i32
      %dma_start3A_639 = arith.constant 1 : i32
      %dma_start3A_640 = arith.constant 128 : i32
      %dma_start3A_641 = arith.constant 0 : i32
      %dma_start3A_642 = tpu.memref_slice %arg10[%dma_start3A_640, %dma_start3A_641] : memref<256x128xbf16, #tpu.memory_space<vmem>> -> memref<128x128xbf16, #tpu.memory_space<vmem>>
      %dma_start3A_643 = arith.constant 0 : i32
      %dma_start3A_644 = tpu.memref_slice %arg6[%dma_start3A_638, %dma_start3A_639, %dma_start3A_643] : memref<2x2x128xi32, #tpu.memory_space<vmem>> -> memref<1x1x128xi32, #tpu.memory_space<vmem>>
      %dma_start3A_645 = tpu.memref_squeeze %dma_start3A_644 : memref<1x1x128xi32, #tpu.memory_space<vmem>> -> memref<128xi32, #tpu.memory_space<vmem>>
      %dma_start3A_646 = arith.constant 0 : i32
      %dma_start3A_647 = arith.constant 0 : i32
      %dma_start3A_648 = tpu.memref_slice %arg13[%dma_start3A_646, %dma_start3A_647] : memref<10240x128xbf16, #tpu.memory_space<vmem_shared>> -> memref<10240x128xbf16, #tpu.memory_space<vmem_shared>>
      tpu.enqueue_indirect_dma source(%dma_start3A_648 : memref<10240x128xbf16, #tpu.memory_space<vmem_shared>>) target(%dma_start3A_642 : memref<128x128xbf16, #tpu.memory_space<vmem>>) offsets(%dma_start3A_645 : memref<128xi32, #tpu.memory_space<vmem>>) semaphore(%arg18 : memref<!tpu.dma_semaphore, #tpu.memory_space<semaphore_mem>>)
      %add3A_649 = arith.constant 2 : i32
      %add3A_650 = arith.addi %add3A_593, %add3A_649 : i32
      %dma_start3A_651 = arith.constant 0 : i32
      %dma_start3A_652 = arith.constant 0 : i32
      %dma_start3A_653 = arith.constant 0 : i32
      %dma_start3A_654 = tpu.memref_slice %arg3[%arg0, %arg1, %add3A_650, %dma_start3A_651, %dma_start3A_652, %dma_start3A_653] : memref<2x16x40x2x2x128xi32, #tpu.memory_space<hbm>> -> memref<1x1x1x2x2x128xi32, #tpu.memory_space<hbm>>
      %dma_start3A_655 = tpu.memref_squeeze %dma_start3A_654 : memref<1x1x1x2x2x128xi32, #tpu.memory_space<hbm>> -> memref<2x2x128xi32, #tpu.memory_space<hbm>>
      %dma_start3A_656 = arith.constant 0 : i32
      %dma_start3A_657 = arith.constant 0 : i32
      %dma_start3A_658 = arith.constant 0 : i32
      %dma_start3A_659 = tpu.memref_slice %arg3[%arg0, %arg1, %add3A_650, %dma_start3A_656, %dma_start3A_657, %dma_start3A_658] : memref<2x16x40x2x2x128xi32, #tpu.memory_space<hbm>> -> memref<1x1x1x2x2x128xi32, #tpu.memory_space<hbm>>
      %dma_start3A_660 = tpu.memref_squeeze %dma_start3A_659 : memref<1x1x1x2x2x128xi32, #tpu.memory_space<hbm>> -> memref<2x2x128xi32, #tpu.memory_space<hbm>>
      tpu.enqueue_dma source(%dma_start3A_660 : memref<2x2x128xi32, #tpu.memory_space<hbm>>) target(%arg7 : memref<2x2x128xi32, #tpu.memory_space<vmem>>) target_semaphore(%arg15 : memref<!tpu.dma_semaphore, #tpu.memory_space<semaphore_mem>>)
      %dma_wait3A_661 = arith.constant 0 : i32
      %dma_wait3A_662 = arith.constant 0 : i32
      %dma_wait3A_663 = arith.constant 0 : i32
      %dma_wait3A_664 = arith.constant 0 : i32
      %dma_wait3A_665 = tpu.memref_slice %arg11[%dma_wait3A_663, %dma_wait3A_664] : memref<256x128xbf16, #tpu.memory_space<vmem>> -> memref<128x128xbf16, #tpu.memory_space<vmem>>
      %dma_wait3A_666 = arith.constant 0 : i32
      %dma_wait3A_667 = tpu.memref_slice %arg9[%dma_wait3A_661, %dma_wait3A_662, %dma_wait3A_666] : memref<2x2x128xi32, #tpu.memory_space<vmem>> -> memref<1x1x128xi32, #tpu.memory_space<vmem>>
      %dma_wait3A_668 = tpu.memref_squeeze %dma_wait3A_667 : memref<1x1x128xi32, #tpu.memory_space<vmem>> -> memref<128xi32, #tpu.memory_space<vmem>>
      %dma_wait3A_669 = arith.constant 0 : i32
      %dma_wait3A_670 = arith.constant 0 : i32
      %dma_wait3A_671 = tpu.memref_slice %arg13[%dma_wait3A_669, %dma_wait3A_670] : memref<10240x128xbf16, #tpu.memory_space<vmem_shared>> -> memref<10240x128xbf16, #tpu.memory_space<vmem_shared>>
      tpu.wait_indirect_dma semaphore(%arg19 : memref<!tpu.dma_semaphore, #tpu.memory_space<semaphore_mem>>) src(%dma_wait3A_671 : memref<10240x128xbf16, #tpu.memory_space<vmem_shared>>) dst(%dma_wait3A_665 : memref<128x128xbf16, #tpu.memory_space<vmem>>)
      %dma_wait3A_672 = arith.constant 0 : i32
      %dma_wait3A_673 = arith.constant 1 : i32
      %dma_wait3A_674 = arith.constant 128 : i32
      %dma_wait3A_675 = arith.constant 0 : i32
      %dma_wait3A_676 = tpu.memref_slice %arg11[%dma_wait3A_674, %dma_wait3A_675] : memref<256x128xbf16, #tpu.memory_space<vmem>> -> memref<128x128xbf16, #tpu.memory_space<vmem>>
      %dma_wait3A_677 = arith.constant 0 : i32
      %dma_wait3A_678 = tpu.memref_slice %arg9[%dma_wait3A_672, %dma_wait3A_673, %dma_wait3A_677] : memref<2x2x128xi32, #tpu.memory_space<vmem>> -> memref<1x1x128xi32, #tpu.memory_space<vmem>>
      %dma_wait3A_679 = tpu.memref_squeeze %dma_wait3A_678 : memref<1x1x128xi32, #tpu.memory_space<vmem>> -> memref<128xi32, #tpu.memory_space<vmem>>
      %dma_wait3A_680 = arith.constant 0 : i32
      %dma_wait3A_681 = arith.constant 0 : i32
      %dma_wait3A_682 = tpu.memref_slice %arg13[%dma_wait3A_680, %dma_wait3A_681] : memref<10240x128xbf16, #tpu.memory_space<vmem_shared>> -> memref<10240x128xbf16, #tpu.memory_space<vmem_shared>>
      tpu.wait_indirect_dma semaphore(%arg19 : memref<!tpu.dma_semaphore, #tpu.memory_space<semaphore_mem>>) src(%dma_wait3A_682 : memref<10240x128xbf16, #tpu.memory_space<vmem_shared>>) dst(%dma_wait3A_676 : memref<128x128xbf16, #tpu.memory_space<vmem>>)
      %dma_start3A_683 = arith.constant 1 : i32
      %dma_start3A_684 = arith.constant 0 : i32
      %dma_start3A_685 = arith.constant 0 : i32
      %dma_start3A_686 = arith.constant 0 : i32
      %dma_start3A_687 = tpu.memref_slice %arg11[%dma_start3A_685, %dma_start3A_686] : memref<256x128xbf16, #tpu.memory_space<vmem>> -> memref<128x128xbf16, #tpu.memory_space<vmem>>
      %dma_start3A_688 = arith.constant 0 : i32
      %dma_start3A_689 = tpu.memref_slice %arg9[%dma_start3A_683, %dma_start3A_684, %dma_start3A_688] : memref<2x2x128xi32, #tpu.memory_space<vmem>> -> memref<1x1x128xi32, #tpu.memory_space<vmem>>
      %dma_start3A_690 = tpu.memref_squeeze %dma_start3A_689 : memref<1x1x128xi32, #tpu.memory_space<vmem>> -> memref<128xi32, #tpu.memory_space<vmem>>
      %dma_start3A_691 = arith.constant 0 : i32
      %dma_start3A_692 = arith.constant 0 : i32
      %dma_start3A_693 = tpu.memref_slice %arg12[%dma_start3A_691, %dma_start3A_692] : memref<10496x128xbf16, #tpu.memory_space<vmem_shared>> -> memref<10496x128xbf16, #tpu.memory_space<vmem_shared>>
      tpu.enqueue_indirect_dma source(%dma_start3A_687 : memref<128x128xbf16, #tpu.memory_space<vmem>>) target(%dma_start3A_693 : memref<10496x128xbf16, #tpu.memory_space<vmem_shared>>) offsets(%dma_start3A_690 : memref<128xi32, #tpu.memory_space<vmem>>) semaphore(%arg21 : memref<!tpu.dma_semaphore, #tpu.memory_space<semaphore_mem>>) {add = true}
      %dma_start3A_694 = arith.constant 1 : i32
      %dma_start3A_695 = arith.constant 1 : i32
      %dma_start3A_696 = arith.constant 128 : i32
      %dma_start3A_697 = arith.constant 0 : i32
      %dma_start3A_698 = tpu.memref_slice %arg11[%dma_start3A_696, %dma_start3A_697] : memref<256x128xbf16, #tpu.memory_space<vmem>> -> memref<128x128xbf16, #tpu.memory_space<vmem>>
      %dma_start3A_699 = arith.constant 0 : i32
      %dma_start3A_700 = tpu.memref_slice %arg9[%dma_start3A_694, %dma_start3A_695, %dma_start3A_699] : memref<2x2x128xi32, #tpu.memory_space<vmem>> -> memref<1x1x128xi32, #tpu.memory_space<vmem>>
      %dma_start3A_701 = tpu.memref_squeeze %dma_start3A_700 : memref<1x1x128xi32, #tpu.memory_space<vmem>> -> memref<128xi32, #tpu.memory_space<vmem>>
      %dma_start3A_702 = arith.constant 0 : i32
      %dma_start3A_703 = arith.constant 0 : i32
      %dma_start3A_704 = tpu.memref_slice %arg12[%dma_start3A_702, %dma_start3A_703] : memref<10496x128xbf16, #tpu.memory_space<vmem_shared>> -> memref<10496x128xbf16, #tpu.memory_space<vmem_shared>>
      tpu.enqueue_indirect_dma source(%dma_start3A_698 : memref<128x128xbf16, #tpu.memory_space<vmem>>) target(%dma_start3A_704 : memref<10496x128xbf16, #tpu.memory_space<vmem_shared>>) offsets(%dma_start3A_701 : memref<128xi32, #tpu.memory_space<vmem>>) semaphore(%arg21 : memref<!tpu.dma_semaphore, #tpu.memory_space<semaphore_mem>>) {add = true}
      %mul3A_705 = arith.constant 4 : i32
      %mul3A_706 = arith.muli %scan3A_470, %mul3A_705 : i32
      %add3A_707 = arith.constant 2 : i32
      %add3A_708 = arith.addi %add3A_707, %mul3A_706 : i32
      %add3A_709 = arith.constant 2 : i32
      %add3A_710 = arith.addi %add3A_708, %add3A_709 : i32
      %dma_wait3A_711 = arith.constant 0 : i32
      %dma_wait3A_712 = arith.constant 0 : i32
      %dma_wait3A_713 = arith.constant 0 : i32
      %dma_wait3A_714 = arith.constant 0 : i32
      %dma_wait3A_715 = tpu.memref_slice %arg3[%arg0, %arg1, %dma_wait3A_711, %dma_wait3A_712, %dma_wait3A_713, %dma_wait3A_714] : memref<2x16x40x2x2x128xi32, #tpu.memory_space<hbm>> -> memref<1x1x1x2x2x128xi32, #tpu.memory_space<hbm>>
      %dma_wait3A_716 = tpu.memref_squeeze %dma_wait3A_715 : memref<1x1x1x2x2x128xi32, #tpu.memory_space<hbm>> -> memref<2x2x128xi32, #tpu.memory_space<hbm>>
      %dma_wait3A_717 = arith.constant 0 : i32
      %dma_wait3A_718 = arith.constant 0 : i32
      %dma_wait3A_719 = arith.constant 0 : i32
      %dma_wait3A_720 = tpu.memref_slice %arg3[%arg0, %arg1, %dma_wait3A_711, %dma_wait3A_717, %dma_wait3A_718, %dma_wait3A_719] : memref<2x16x40x2x2x128xi32, #tpu.memory_space<hbm>> -> memref<1x1x1x2x2x128xi32, #tpu.memory_space<hbm>>
      %dma_wait3A_721 = tpu.memref_squeeze %dma_wait3A_720 : memref<1x1x1x2x2x128xi32, #tpu.memory_space<hbm>> -> memref<2x2x128xi32, #tpu.memory_space<hbm>>
      tpu.wait_dma2 semaphore(%arg15 : memref<!tpu.dma_semaphore, #tpu.memory_space<semaphore_mem>>) src(%dma_wait3A_721 : memref<2x2x128xi32, #tpu.memory_space<hbm>>) dst(%arg7 : memref<2x2x128xi32, #tpu.memory_space<vmem>>)
      %dma_wait3A_722 = arith.constant 1 : i32
      %dma_wait3A_723 = arith.constant 0 : i32
      %dma_wait3A_724 = arith.constant 0 : i32
      %dma_wait3A_725 = arith.constant 0 : i32
      %dma_wait3A_726 = tpu.memref_slice %arg11[%dma_wait3A_724, %dma_wait3A_725] : memref<256x128xbf16, #tpu.memory_space<vmem>> -> memref<128x128xbf16, #tpu.memory_space<vmem>>
      %dma_wait3A_727 = arith.constant 0 : i32
      %dma_wait3A_728 = tpu.memref_slice %arg9[%dma_wait3A_722, %dma_wait3A_723, %dma_wait3A_727] : memref<2x2x128xi32, #tpu.memory_space<vmem>> -> memref<1x1x128xi32, #tpu.memory_space<vmem>>
      %dma_wait3A_729 = tpu.memref_squeeze %dma_wait3A_728 : memref<1x1x128xi32, #tpu.memory_space<vmem>> -> memref<128xi32, #tpu.memory_space<vmem>>
      %dma_wait3A_730 = arith.constant 0 : i32
      %dma_wait3A_731 = arith.constant 0 : i32
      %dma_wait3A_732 = tpu.memref_slice %arg12[%dma_wait3A_730, %dma_wait3A_731] : memref<10496x128xbf16, #tpu.memory_space<vmem_shared>> -> memref<10496x128xbf16, #tpu.memory_space<vmem_shared>>
      tpu.wait_indirect_dma semaphore(%arg21 : memref<!tpu.dma_semaphore, #tpu.memory_space<semaphore_mem>>) src(%dma_wait3A_726 : memref<128x128xbf16, #tpu.memory_space<vmem>>) dst(%dma_wait3A_732 : memref<10496x128xbf16, #tpu.memory_space<vmem_shared>>)
      %dma_wait3A_733 = arith.constant 1 : i32
      %dma_wait3A_734 = arith.constant 1 : i32
      %dma_wait3A_735 = arith.constant 128 : i32
      %dma_wait3A_736 = arith.constant 0 : i32
      %dma_wait3A_737 = tpu.memref_slice %arg11[%dma_wait3A_735, %dma_wait3A_736] : memref<256x128xbf16, #tpu.memory_space<vmem>> -> memref<128x128xbf16, #tpu.memory_space<vmem>>
      %dma_wait3A_738 = arith.constant 0 : i32
      %dma_wait3A_739 = tpu.memref_slice %arg9[%dma_wait3A_733, %dma_wait3A_734, %dma_wait3A_738] : memref<2x2x128xi32, #tpu.memory_space<vmem>> -> memref<1x1x128xi32, #tpu.memory_space<vmem>>
      %dma_wait3A_740 = tpu.memref_squeeze %dma_wait3A_739 : memref<1x1x128xi32, #tpu.memory_space<vmem>> -> memref<128xi32, #tpu.memory_space<vmem>>
      %dma_wait3A_741 = arith.constant 0 : i32
      %dma_wait3A_742 = arith.constant 0 : i32
      %dma_wait3A_743 = tpu.memref_slice %arg12[%dma_wait3A_741, %dma_wait3A_742] : memref<10496x128xbf16, #tpu.memory_space<vmem_shared>> -> memref<10496x128xbf16, #tpu.memory_space<vmem_shared>>
      tpu.wait_indirect_dma semaphore(%arg21 : memref<!tpu.dma_semaphore, #tpu.memory_space<semaphore_mem>>) src(%dma_wait3A_737 : memref<128x128xbf16, #tpu.memory_space<vmem>>) dst(%dma_wait3A_743 : memref<10496x128xbf16, #tpu.memory_space<vmem_shared>>)
      %dma_start3A_744 = arith.constant 0 : i32
      %dma_start3A_745 = arith.constant 0 : i32
      %dma_start3A_746 = arith.constant 0 : i32
      %dma_start3A_747 = arith.constant 0 : i32
      %dma_start3A_748 = tpu.memref_slice %arg11[%dma_start3A_746, %dma_start3A_747] : memref<256x128xbf16, #tpu.memory_space<vmem>> -> memref<128x128xbf16, #tpu.memory_space<vmem>>
      %dma_start3A_749 = arith.constant 0 : i32
      %dma_start3A_750 = tpu.memref_slice %arg7[%dma_start3A_744, %dma_start3A_745, %dma_start3A_749] : memref<2x2x128xi32, #tpu.memory_space<vmem>> -> memref<1x1x128xi32, #tpu.memory_space<vmem>>
      %dma_start3A_751 = tpu.memref_squeeze %dma_start3A_750 : memref<1x1x128xi32, #tpu.memory_space<vmem>> -> memref<128xi32, #tpu.memory_space<vmem>>
      %dma_start3A_752 = arith.constant 0 : i32
      %dma_start3A_753 = arith.constant 0 : i32
      %dma_start3A_754 = tpu.memref_slice %arg13[%dma_start3A_752, %dma_start3A_753] : memref<10240x128xbf16, #tpu.memory_space<vmem_shared>> -> memref<10240x128xbf16, #tpu.memory_space<vmem_shared>>
      tpu.enqueue_indirect_dma source(%dma_start3A_754 : memref<10240x128xbf16, #tpu.memory_space<vmem_shared>>) target(%dma_start3A_748 : memref<128x128xbf16, #tpu.memory_space<vmem>>) offsets(%dma_start3A_751 : memref<128xi32, #tpu.memory_space<vmem>>) semaphore(%arg19 : memref<!tpu.dma_semaphore, #tpu.memory_space<semaphore_mem>>)
      %dma_start3A_755 = arith.constant 0 : i32
      %dma_start3A_756 = arith.constant 1 : i32
      %dma_start3A_757 = arith.constant 128 : i32
      %dma_start3A_758 = arith.constant 0 : i32
      %dma_start3A_759 = tpu.memref_slice %arg11[%dma_start3A_757, %dma_start3A_758] : memref<256x128xbf16, #tpu.memory_space<vmem>> -> memref<128x128xbf16, #tpu.memory_space<vmem>>
      %dma_start3A_760 = arith.constant 0 : i32
      %dma_start3A_761 = tpu.memref_slice %arg7[%dma_start3A_755, %dma_start3A_756, %dma_start3A_760] : memref<2x2x128xi32, #tpu.memory_space<vmem>> -> memref<1x1x128xi32, #tpu.memory_space<vmem>>
      %dma_start3A_762 = tpu.memref_squeeze %dma_start3A_761 : memref<1x1x128xi32, #tpu.memory_space<vmem>> -> memref<128xi32, #tpu.memory_space<vmem>>
      %dma_start3A_763 = arith.constant 0 : i32
      %dma_start3A_764 = arith.constant 0 : i32
      %dma_start3A_765 = tpu.memref_slice %arg13[%dma_start3A_763, %dma_start3A_764] : memref<10240x128xbf16, #tpu.memory_space<vmem_shared>> -> memref<10240x128xbf16, #tpu.memory_space<vmem_shared>>
      tpu.enqueue_indirect_dma source(%dma_start3A_765 : memref<10240x128xbf16, #tpu.memory_space<vmem_shared>>) target(%dma_start3A_759 : memref<128x128xbf16, #tpu.memory_space<vmem>>) offsets(%dma_start3A_762 : memref<128xi32, #tpu.memory_space<vmem>>) semaphore(%arg19 : memref<!tpu.dma_semaphore, #tpu.memory_space<semaphore_mem>>)
      %add3A_766 = arith.constant 2 : i32
      %add3A_767 = arith.addi %add3A_710, %add3A_766 : i32
      %dma_start3A_768 = arith.constant 0 : i32
      %dma_start3A_769 = arith.constant 0 : i32
      %dma_start3A_770 = arith.constant 0 : i32
      %dma_start3A_771 = tpu.memref_slice %arg3[%arg0, %arg1, %add3A_767, %dma_start3A_768, %dma_start3A_769, %dma_start3A_770] : memref<2x16x40x2x2x128xi32, #tpu.memory_space<hbm>> -> memref<1x1x1x2x2x128xi32, #tpu.memory_space<hbm>>
      %dma_start3A_772 = tpu.memref_squeeze %dma_start3A_771 : memref<1x1x1x2x2x128xi32, #tpu.memory_space<hbm>> -> memref<2x2x128xi32, #tpu.memory_space<hbm>>
      %dma_start3A_773 = arith.constant 0 : i32
      %dma_start3A_774 = arith.constant 0 : i32
      %dma_start3A_775 = arith.constant 0 : i32
      %dma_start3A_776 = tpu.memref_slice %arg3[%arg0, %arg1, %add3A_767, %dma_start3A_773, %dma_start3A_774, %dma_start3A_775] : memref<2x16x40x2x2x128xi32, #tpu.memory_space<hbm>> -> memref<1x1x1x2x2x128xi32, #tpu.memory_space<hbm>>
      %dma_start3A_777 = tpu.memref_squeeze %dma_start3A_776 : memref<1x1x1x2x2x128xi32, #tpu.memory_space<hbm>> -> memref<2x2x128xi32, #tpu.memory_space<hbm>>
      tpu.enqueue_dma source(%dma_start3A_777 : memref<2x2x128xi32, #tpu.memory_space<hbm>>) target(%arg8 : memref<2x2x128xi32, #tpu.memory_space<vmem>>) target_semaphore(%arg16 : memref<!tpu.dma_semaphore, #tpu.memory_space<semaphore_mem>>)
      %dma_wait3A_778 = arith.constant 0 : i32
      %dma_wait3A_779 = arith.constant 0 : i32
      %dma_wait3A_780 = arith.constant 0 : i32
      %dma_wait3A_781 = arith.constant 0 : i32
      %dma_wait3A_782 = tpu.memref_slice %arg10[%dma_wait3A_780, %dma_wait3A_781] : memref<256x128xbf16, #tpu.memory_space<vmem>> -> memref<128x128xbf16, #tpu.memory_space<vmem>>
      %dma_wait3A_783 = arith.constant 0 : i32
      %dma_wait3A_784 = tpu.memref_slice %arg6[%dma_wait3A_778, %dma_wait3A_779, %dma_wait3A_783] : memref<2x2x128xi32, #tpu.memory_space<vmem>> -> memref<1x1x128xi32, #tpu.memory_space<vmem>>
      %dma_wait3A_785 = tpu.memref_squeeze %dma_wait3A_784 : memref<1x1x128xi32, #tpu.memory_space<vmem>> -> memref<128xi32, #tpu.memory_space<vmem>>
      %dma_wait3A_786 = arith.constant 0 : i32
      %dma_wait3A_787 = arith.constant 0 : i32
      %dma_wait3A_788 = tpu.memref_slice %arg13[%dma_wait3A_786, %dma_wait3A_787] : memref<10240x128xbf16, #tpu.memory_space<vmem_shared>> -> memref<10240x128xbf16, #tpu.memory_space<vmem_shared>>
      tpu.wait_indirect_dma semaphore(%arg18 : memref<!tpu.dma_semaphore, #tpu.memory_space<semaphore_mem>>) src(%dma_wait3A_788 : memref<10240x128xbf16, #tpu.memory_space<vmem_shared>>) dst(%dma_wait3A_782 : memref<128x128xbf16, #tpu.memory_space<vmem>>)
      %dma_wait3A_789 = arith.constant 0 : i32
      %dma_wait3A_790 = arith.constant 1 : i32
      %dma_wait3A_791 = arith.constant 128 : i32
      %dma_wait3A_792 = arith.constant 0 : i32
      %dma_wait3A_793 = tpu.memref_slice %arg10[%dma_wait3A_791, %dma_wait3A_792] : memref<256x128xbf16, #tpu.memory_space<vmem>> -> memref<128x128xbf16, #tpu.memory_space<vmem>>
      %dma_wait3A_794 = arith.constant 0 : i32
      %dma_wait3A_795 = tpu.memref_slice %arg6[%dma_wait3A_789, %dma_wait3A_790, %dma_wait3A_794] : memref<2x2x128xi32, #tpu.memory_space<vmem>> -> memref<1x1x128xi32, #tpu.memory_space<vmem>>
      %dma_wait3A_796 = tpu.memref_squeeze %dma_wait3A_795 : memref<1x1x128xi32, #tpu.memory_space<vmem>> -> memref<128xi32, #tpu.memory_space<vmem>>
      %dma_wait3A_797 = arith.constant 0 : i32
      %dma_wait3A_798 = arith.constant 0 : i32
      %dma_wait3A_799 = tpu.memref_slice %arg13[%dma_wait3A_797, %dma_wait3A_798] : memref<10240x128xbf16, #tpu.memory_space<vmem_shared>> -> memref<10240x128xbf16, #tpu.memory_space<vmem_shared>>
      tpu.wait_indirect_dma semaphore(%arg18 : memref<!tpu.dma_semaphore, #tpu.memory_space<semaphore_mem>>) src(%dma_wait3A_799 : memref<10240x128xbf16, #tpu.memory_space<vmem_shared>>) dst(%dma_wait3A_793 : memref<128x128xbf16, #tpu.memory_space<vmem>>)
      %dma_start3A_800 = arith.constant 1 : i32
      %dma_start3A_801 = arith.constant 0 : i32
      %dma_start3A_802 = arith.constant 0 : i32
      %dma_start3A_803 = arith.constant 0 : i32
      %dma_start3A_804 = tpu.memref_slice %arg10[%dma_start3A_802, %dma_start3A_803] : memref<256x128xbf16, #tpu.memory_space<vmem>> -> memref<128x128xbf16, #tpu.memory_space<vmem>>
      %dma_start3A_805 = arith.constant 0 : i32
      %dma_start3A_806 = tpu.memref_slice %arg6[%dma_start3A_800, %dma_start3A_801, %dma_start3A_805] : memref<2x2x128xi32, #tpu.memory_space<vmem>> -> memref<1x1x128xi32, #tpu.memory_space<vmem>>
      %dma_start3A_807 = tpu.memref_squeeze %dma_start3A_806 : memref<1x1x128xi32, #tpu.memory_space<vmem>> -> memref<128xi32, #tpu.memory_space<vmem>>
      %dma_start3A_808 = arith.constant 0 : i32
      %dma_start3A_809 = arith.constant 0 : i32
      %dma_start3A_810 = tpu.memref_slice %arg12[%dma_start3A_808, %dma_start3A_809] : memref<10496x128xbf16, #tpu.memory_space<vmem_shared>> -> memref<10496x128xbf16, #tpu.memory_space<vmem_shared>>
      tpu.enqueue_indirect_dma source(%dma_start3A_804 : memref<128x128xbf16, #tpu.memory_space<vmem>>) target(%dma_start3A_810 : memref<10496x128xbf16, #tpu.memory_space<vmem_shared>>) offsets(%dma_start3A_807 : memref<128xi32, #tpu.memory_space<vmem>>) semaphore(%arg20 : memref<!tpu.dma_semaphore, #tpu.memory_space<semaphore_mem>>) {add = true}
      %dma_start3A_811 = arith.constant 1 : i32
      %dma_start3A_812 = arith.constant 1 : i32
      %dma_start3A_813 = arith.constant 128 : i32
      %dma_start3A_814 = arith.constant 0 : i32
      %dma_start3A_815 = tpu.memref_slice %arg10[%dma_start3A_813, %dma_start3A_814] : memref<256x128xbf16, #tpu.memory_space<vmem>> -> memref<128x128xbf16, #tpu.memory_space<vmem>>
      %dma_start3A_816 = arith.constant 0 : i32
      %dma_start3A_817 = tpu.memref_slice %arg6[%dma_start3A_811, %dma_start3A_812, %dma_start3A_816] : memref<2x2x128xi32, #tpu.memory_space<vmem>> -> memref<1x1x128xi32, #tpu.memory_space<vmem>>
      %dma_start3A_818 = tpu.memref_squeeze %dma_start3A_817 : memref<1x1x128xi32, #tpu.memory_space<vmem>> -> memref<128xi32, #tpu.memory_space<vmem>>
      %dma_start3A_819 = arith.constant 0 : i32
      %dma_start3A_820 = arith.constant 0 : i32
      %dma_start3A_821 = tpu.memref_slice %arg12[%dma_start3A_819, %dma_start3A_820] : memref<10496x128xbf16, #tpu.memory_space<vmem_shared>> -> memref<10496x128xbf16, #tpu.memory_space<vmem_shared>>
      tpu.enqueue_indirect_dma source(%dma_start3A_815 : memref<128x128xbf16, #tpu.memory_space<vmem>>) target(%dma_start3A_821 : memref<10496x128xbf16, #tpu.memory_space<vmem_shared>>) offsets(%dma_start3A_818 : memref<128xi32, #tpu.memory_space<vmem>>) semaphore(%arg20 : memref<!tpu.dma_semaphore, #tpu.memory_space<semaphore_mem>>) {add = true}
      %mul3A_822 = arith.constant 4 : i32
      %mul3A_823 = arith.muli %scan3A_470, %mul3A_822 : i32
      %add3A_824 = arith.constant 2 : i32
      %add3A_825 = arith.addi %add3A_824, %mul3A_823 : i32
      %add3A_826 = arith.constant 3 : i32
      %add3A_827 = arith.addi %add3A_825, %add3A_826 : i32
      %dma_wait3A_828 = arith.constant 0 : i32
      %dma_wait3A_829 = arith.constant 0 : i32
      %dma_wait3A_830 = arith.constant 0 : i32
      %dma_wait3A_831 = arith.constant 0 : i32
      %dma_wait3A_832 = tpu.memref_slice %arg3[%arg0, %arg1, %dma_wait3A_828, %dma_wait3A_829, %dma_wait3A_830, %dma_wait3A_831] : memref<2x16x40x2x2x128xi32, #tpu.memory_space<hbm>> -> memref<1x1x1x2x2x128xi32, #tpu.memory_space<hbm>>
      %dma_wait3A_833 = tpu.memref_squeeze %dma_wait3A_832 : memref<1x1x1x2x2x128xi32, #tpu.memory_space<hbm>> -> memref<2x2x128xi32, #tpu.memory_space<hbm>>
      %dma_wait3A_834 = arith.constant 0 : i32
      %dma_wait3A_835 = arith.constant 0 : i32
      %dma_wait3A_836 = arith.constant 0 : i32
      %dma_wait3A_837 = tpu.memref_slice %arg3[%arg0, %arg1, %dma_wait3A_828, %dma_wait3A_834, %dma_wait3A_835, %dma_wait3A_836] : memref<2x16x40x2x2x128xi32, #tpu.memory_space<hbm>> -> memref<1x1x1x2x2x128xi32, #tpu.memory_space<hbm>>
      %dma_wait3A_838 = tpu.memref_squeeze %dma_wait3A_837 : memref<1x1x1x2x2x128xi32, #tpu.memory_space<hbm>> -> memref<2x2x128xi32, #tpu.memory_space<hbm>>
      tpu.wait_dma2 semaphore(%arg16 : memref<!tpu.dma_semaphore, #tpu.memory_space<semaphore_mem>>) src(%dma_wait3A_838 : memref<2x2x128xi32, #tpu.memory_space<hbm>>) dst(%arg8 : memref<2x2x128xi32, #tpu.memory_space<vmem>>)
      %dma_wait3A_839 = arith.constant 1 : i32
      %dma_wait3A_840 = arith.constant 0 : i32
      %dma_wait3A_841 = arith.constant 0 : i32
      %dma_wait3A_842 = arith.constant 0 : i32
      %dma_wait3A_843 = tpu.memref_slice %arg10[%dma_wait3A_841, %dma_wait3A_842] : memref<256x128xbf16, #tpu.memory_space<vmem>> -> memref<128x128xbf16, #tpu.memory_space<vmem>>
      %dma_wait3A_844 = arith.constant 0 : i32
      %dma_wait3A_845 = tpu.memref_slice %arg6[%dma_wait3A_839, %dma_wait3A_840, %dma_wait3A_844] : memref<2x2x128xi32, #tpu.memory_space<vmem>> -> memref<1x1x128xi32, #tpu.memory_space<vmem>>
      %dma_wait3A_846 = tpu.memref_squeeze %dma_wait3A_845 : memref<1x1x128xi32, #tpu.memory_space<vmem>> -> memref<128xi32, #tpu.memory_space<vmem>>
      %dma_wait3A_847 = arith.constant 0 : i32
      %dma_wait3A_848 = arith.constant 0 : i32
      %dma_wait3A_849 = tpu.memref_slice %arg12[%dma_wait3A_847, %dma_wait3A_848] : memref<10496x128xbf16, #tpu.memory_space<vmem_shared>> -> memref<10496x128xbf16, #tpu.memory_space<vmem_shared>>
      tpu.wait_indirect_dma semaphore(%arg20 : memref<!tpu.dma_semaphore, #tpu.memory_space<semaphore_mem>>) src(%dma_wait3A_843 : memref<128x128xbf16, #tpu.memory_space<vmem>>) dst(%dma_wait3A_849 : memref<10496x128xbf16, #tpu.memory_space<vmem_shared>>)
      %dma_wait3A_850 = arith.constant 1 : i32
      %dma_wait3A_851 = arith.constant 1 : i32
      %dma_wait3A_852 = arith.constant 128 : i32
      %dma_wait3A_853 = arith.constant 0 : i32
      %dma_wait3A_854 = tpu.memref_slice %arg10[%dma_wait3A_852, %dma_wait3A_853] : memref<256x128xbf16, #tpu.memory_space<vmem>> -> memref<128x128xbf16, #tpu.memory_space<vmem>>
      %dma_wait3A_855 = arith.constant 0 : i32
      %dma_wait3A_856 = tpu.memref_slice %arg6[%dma_wait3A_850, %dma_wait3A_851, %dma_wait3A_855] : memref<2x2x128xi32, #tpu.memory_space<vmem>> -> memref<1x1x128xi32, #tpu.memory_space<vmem>>
      %dma_wait3A_857 = tpu.memref_squeeze %dma_wait3A_856 : memref<1x1x128xi32, #tpu.memory_space<vmem>> -> memref<128xi32, #tpu.memory_space<vmem>>
      %dma_wait3A_858 = arith.constant 0 : i32
      %dma_wait3A_859 = arith.constant 0 : i32
      %dma_wait3A_860 = tpu.memref_slice %arg12[%dma_wait3A_858, %dma_wait3A_859] : memref<10496x128xbf16, #tpu.memory_space<vmem_shared>> -> memref<10496x128xbf16, #tpu.memory_space<vmem_shared>>
      tpu.wait_indirect_dma semaphore(%arg20 : memref<!tpu.dma_semaphore, #tpu.memory_space<semaphore_mem>>) src(%dma_wait3A_854 : memref<128x128xbf16, #tpu.memory_space<vmem>>) dst(%dma_wait3A_860 : memref<10496x128xbf16, #tpu.memory_space<vmem_shared>>)
      %dma_start3A_861 = arith.constant 0 : i32
      %dma_start3A_862 = arith.constant 0 : i32
      %dma_start3A_863 = arith.constant 0 : i32
      %dma_start3A_864 = arith.constant 0 : i32
      %dma_start3A_865 = tpu.memref_slice %arg10[%dma_start3A_863, %dma_start3A_864] : memref<256x128xbf16, #tpu.memory_space<vmem>> -> memref<128x128xbf16, #tpu.memory_space<vmem>>
      %dma_start3A_866 = arith.constant 0 : i32
      %dma_start3A_867 = tpu.memref_slice %arg8[%dma_start3A_861, %dma_start3A_862, %dma_start3A_866] : memref<2x2x128xi32, #tpu.memory_space<vmem>> -> memref<1x1x128xi32, #tpu.memory_space<vmem>>
      %dma_start3A_868 = tpu.memref_squeeze %dma_start3A_867 : memref<1x1x128xi32, #tpu.memory_space<vmem>> -> memref<128xi32, #tpu.memory_space<vmem>>
      %dma_start3A_869 = arith.constant 0 : i32
      %dma_start3A_870 = arith.constant 0 : i32
      %dma_start3A_871 = tpu.memref_slice %arg13[%dma_start3A_869, %dma_start3A_870] : memref<10240x128xbf16, #tpu.memory_space<vmem_shared>> -> memref<10240x128xbf16, #tpu.memory_space<vmem_shared>>
      tpu.enqueue_indirect_dma source(%dma_start3A_871 : memref<10240x128xbf16, #tpu.memory_space<vmem_shared>>) target(%dma_start3A_865 : memref<128x128xbf16, #tpu.memory_space<vmem>>) offsets(%dma_start3A_868 : memref<128xi32, #tpu.memory_space<vmem>>) semaphore(%arg18 : memref<!tpu.dma_semaphore, #tpu.memory_space<semaphore_mem>>)
      %dma_start3A_872 = arith.constant 0 : i32
      %dma_start3A_873 = arith.constant 1 : i32
      %dma_start3A_874 = arith.constant 128 : i32
      %dma_start3A_875 = arith.constant 0 : i32
      %dma_start3A_876 = tpu.memref_slice %arg10[%dma_start3A_874, %dma_start3A_875] : memref<256x128xbf16, #tpu.memory_space<vmem>> -> memref<128x128xbf16, #tpu.memory_space<vmem>>
      %dma_start3A_877 = arith.constant 0 : i32
      %dma_start3A_878 = tpu.memref_slice %arg8[%dma_start3A_872, %dma_start3A_873, %dma_start3A_877] : memref<2x2x128xi32, #tpu.memory_space<vmem>> -> memref<1x1x128xi32, #tpu.memory_space<vmem>>
      %dma_start3A_879 = tpu.memref_squeeze %dma_start3A_878 : memref<1x1x128xi32, #tpu.memory_space<vmem>> -> memref<128xi32, #tpu.memory_space<vmem>>
      %dma_start3A_880 = arith.constant 0 : i32
      %dma_start3A_881 = arith.constant 0 : i32
      %dma_start3A_882 = tpu.memref_slice %arg13[%dma_start3A_880, %dma_start3A_881] : memref<10240x128xbf16, #tpu.memory_space<vmem_shared>> -> memref<10240x128xbf16, #tpu.memory_space<vmem_shared>>
      tpu.enqueue_indirect_dma source(%dma_start3A_882 : memref<10240x128xbf16, #tpu.memory_space<vmem_shared>>) target(%dma_start3A_876 : memref<128x128xbf16, #tpu.memory_space<vmem>>) offsets(%dma_start3A_879 : memref<128xi32, #tpu.memory_space<vmem>>) semaphore(%arg18 : memref<!tpu.dma_semaphore, #tpu.memory_space<semaphore_mem>>)
      %add3A_883 = arith.constant 2 : i32
      %add3A_884 = arith.addi %add3A_827, %add3A_883 : i32
      %dma_start3A_885 = arith.constant 0 : i32
      %dma_start3A_886 = arith.constant 0 : i32
      %dma_start3A_887 = arith.constant 0 : i32
      %dma_start3A_888 = tpu.memref_slice %arg3[%arg0, %arg1, %add3A_884, %dma_start3A_885, %dma_start3A_886, %dma_start3A_887] : memref<2x16x40x2x2x128xi32, #tpu.memory_space<hbm>> -> memref<1x1x1x2x2x128xi32, #tpu.memory_space<hbm>>
      %dma_start3A_889 = tpu.memref_squeeze %dma_start3A_888 : memref<1x1x1x2x2x128xi32, #tpu.memory_space<hbm>> -> memref<2x2x128xi32, #tpu.memory_space<hbm>>
      %dma_start3A_890 = arith.constant 0 : i32
      %dma_start3A_891 = arith.constant 0 : i32
      %dma_start3A_892 = arith.constant 0 : i32
      %dma_start3A_893 = tpu.memref_slice %arg3[%arg0, %arg1, %add3A_884, %dma_start3A_890, %dma_start3A_891, %dma_start3A_892] : memref<2x16x40x2x2x128xi32, #tpu.memory_space<hbm>> -> memref<1x1x1x2x2x128xi32, #tpu.memory_space<hbm>>
      %dma_start3A_894 = tpu.memref_squeeze %dma_start3A_893 : memref<1x1x1x2x2x128xi32, #tpu.memory_space<hbm>> -> memref<2x2x128xi32, #tpu.memory_space<hbm>>
      tpu.enqueue_dma source(%dma_start3A_894 : memref<2x2x128xi32, #tpu.memory_space<hbm>>) target(%arg9 : memref<2x2x128xi32, #tpu.memory_space<vmem>>) target_semaphore(%arg17 : memref<!tpu.dma_semaphore, #tpu.memory_space<semaphore_mem>>)
      %dma_wait3A_895 = arith.constant 0 : i32
      %dma_wait3A_896 = arith.constant 0 : i32
      %dma_wait3A_897 = arith.constant 0 : i32
      %dma_wait3A_898 = arith.constant 0 : i32
      %dma_wait3A_899 = tpu.memref_slice %arg11[%dma_wait3A_897, %dma_wait3A_898] : memref<256x128xbf16, #tpu.memory_space<vmem>> -> memref<128x128xbf16, #tpu.memory_space<vmem>>
      %dma_wait3A_900 = arith.constant 0 : i32
      %dma_wait3A_901 = tpu.memref_slice %arg7[%dma_wait3A_895, %dma_wait3A_896, %dma_wait3A_900] : memref<2x2x128xi32, #tpu.memory_space<vmem>> -> memref<1x1x128xi32, #tpu.memory_space<vmem>>
      %dma_wait3A_902 = tpu.memref_squeeze %dma_wait3A_901 : memref<1x1x128xi32, #tpu.memory_space<vmem>> -> memref<128xi32, #tpu.memory_space<vmem>>
      %dma_wait3A_903 = arith.constant 0 : i32
      %dma_wait3A_904 = arith.constant 0 : i32
      %dma_wait3A_905 = tpu.memref_slice %arg13[%dma_wait3A_903, %dma_wait3A_904] : memref<10240x128xbf16, #tpu.memory_space<vmem_shared>> -> memref<10240x128xbf16, #tpu.memory_space<vmem_shared>>
      tpu.wait_indirect_dma semaphore(%arg19 : memref<!tpu.dma_semaphore, #tpu.memory_space<semaphore_mem>>) src(%dma_wait3A_905 : memref<10240x128xbf16, #tpu.memory_space<vmem_shared>>) dst(%dma_wait3A_899 : memref<128x128xbf16, #tpu.memory_space<vmem>>)
      %dma_wait3A_906 = arith.constant 0 : i32
      %dma_wait3A_907 = arith.constant 1 : i32
      %dma_wait3A_908 = arith.constant 128 : i32
      %dma_wait3A_909 = arith.constant 0 : i32
      %dma_wait3A_910 = tpu.memref_slice %arg11[%dma_wait3A_908, %dma_wait3A_909] : memref<256x128xbf16, #tpu.memory_space<vmem>> -> memref<128x128xbf16, #tpu.memory_space<vmem>>
      %dma_wait3A_911 = arith.constant 0 : i32
      %dma_wait3A_912 = tpu.memref_slice %arg7[%dma_wait3A_906, %dma_wait3A_907, %dma_wait3A_911] : memref<2x2x128xi32, #tpu.memory_space<vmem>> -> memref<1x1x128xi32, #tpu.memory_space<vmem>>
      %dma_wait3A_913 = tpu.memref_squeeze %dma_wait3A_912 : memref<1x1x128xi32, #tpu.memory_space<vmem>> -> memref<128xi32, #tpu.memory_space<vmem>>
      %dma_wait3A_914 = arith.constant 0 : i32
      %dma_wait3A_915 = arith.constant 0 : i32
      %dma_wait3A_916 = tpu.memref_slice %arg13[%dma_wait3A_914, %dma_wait3A_915] : memref<10240x128xbf16, #tpu.memory_space<vmem_shared>> -> memref<10240x128xbf16, #tpu.memory_space<vmem_shared>>
      tpu.wait_indirect_dma semaphore(%arg19 : memref<!tpu.dma_semaphore, #tpu.memory_space<semaphore_mem>>) src(%dma_wait3A_916 : memref<10240x128xbf16, #tpu.memory_space<vmem_shared>>) dst(%dma_wait3A_910 : memref<128x128xbf16, #tpu.memory_space<vmem>>)
      %dma_start3A_917 = arith.constant 1 : i32
      %dma_start3A_918 = arith.constant 0 : i32
      %dma_start3A_919 = arith.constant 0 : i32
      %dma_start3A_920 = arith.constant 0 : i32
      %dma_start3A_921 = tpu.memref_slice %arg11[%dma_start3A_919, %dma_start3A_920] : memref<256x128xbf16, #tpu.memory_space<vmem>> -> memref<128x128xbf16, #tpu.memory_space<vmem>>
      %dma_start3A_922 = arith.constant 0 : i32
      %dma_start3A_923 = tpu.memref_slice %arg7[%dma_start3A_917, %dma_start3A_918, %dma_start3A_922] : memref<2x2x128xi32, #tpu.memory_space<vmem>> -> memref<1x1x128xi32, #tpu.memory_space<vmem>>
      %dma_start3A_924 = tpu.memref_squeeze %dma_start3A_923 : memref<1x1x128xi32, #tpu.memory_space<vmem>> -> memref<128xi32, #tpu.memory_space<vmem>>
      %dma_start3A_925 = arith.constant 0 : i32
      %dma_start3A_926 = arith.constant 0 : i32
      %dma_start3A_927 = tpu.memref_slice %arg12[%dma_start3A_925, %dma_start3A_926] : memref<10496x128xbf16, #tpu.memory_space<vmem_shared>> -> memref<10496x128xbf16, #tpu.memory_space<vmem_shared>>
      tpu.enqueue_indirect_dma source(%dma_start3A_921 : memref<128x128xbf16, #tpu.memory_space<vmem>>) target(%dma_start3A_927 : memref<10496x128xbf16, #tpu.memory_space<vmem_shared>>) offsets(%dma_start3A_924 : memref<128xi32, #tpu.memory_space<vmem>>) semaphore(%arg21 : memref<!tpu.dma_semaphore, #tpu.memory_space<semaphore_mem>>) {add = true}
      %dma_start3A_928 = arith.constant 1 : i32
      %dma_start3A_929 = arith.constant 1 : i32
      %dma_start3A_930 = arith.constant 128 : i32
      %dma_start3A_931 = arith.constant 0 : i32
      %dma_start3A_932 = tpu.memref_slice %arg11[%dma_start3A_930, %dma_start3A_931] : memref<256x128xbf16, #tpu.memory_space<vmem>> -> memref<128x128xbf16, #tpu.memory_space<vmem>>
      %dma_start3A_933 = arith.constant 0 : i32
      %dma_start3A_934 = tpu.memref_slice %arg7[%dma_start3A_928, %dma_start3A_929, %dma_start3A_933] : memref<2x2x128xi32, #tpu.memory_space<vmem>> -> memref<1x1x128xi32, #tpu.memory_space<vmem>>
      %dma_start3A_935 = tpu.memref_squeeze %dma_start3A_934 : memref<1x1x128xi32, #tpu.memory_space<vmem>> -> memref<128xi32, #tpu.memory_space<vmem>>
      %dma_start3A_936 = arith.constant 0 : i32
      %dma_start3A_937 = arith.constant 0 : i32
      %dma_start3A_938 = tpu.memref_slice %arg12[%dma_start3A_936, %dma_start3A_937] : memref<10496x128xbf16, #tpu.memory_space<vmem_shared>> -> memref<10496x128xbf16, #tpu.memory_space<vmem_shared>>
      tpu.enqueue_indirect_dma source(%dma_start3A_932 : memref<128x128xbf16, #tpu.memory_space<vmem>>) target(%dma_start3A_938 : memref<10496x128xbf16, #tpu.memory_space<vmem_shared>>) offsets(%dma_start3A_935 : memref<128xi32, #tpu.memory_space<vmem>>) semaphore(%arg21 : memref<!tpu.dma_semaphore, #tpu.memory_space<semaphore_mem>>) {add = true}
    }
    %scan3A_269 = arith.constant 9 : i32
    %dma_wait3A_270 = arith.constant 0 : i32
    %dma_wait3A_271 = arith.constant 0 : i32
    %dma_wait3A_272 = arith.constant 0 : i32
    %dma_wait3A_273 = arith.constant 0 : i32
    %dma_wait3A_274 = tpu.memref_slice %arg3[%arg0, %arg1, %dma_wait3A_270, %dma_wait3A_271, %dma_wait3A_272, %dma_wait3A_273] : memref<2x16x40x2x2x128xi32, #tpu.memory_space<hbm>> -> memref<1x1x1x2x2x128xi32, #tpu.memory_space<hbm>>
    %dma_wait3A_275 = tpu.memref_squeeze %dma_wait3A_274 : memref<1x1x1x2x2x128xi32, #tpu.memory_space<hbm>> -> memref<2x2x128xi32, #tpu.memory_space<hbm>>
    %dma_wait3A_276 = arith.constant 0 : i32
    %dma_wait3A_277 = arith.constant 0 : i32
    %dma_wait3A_278 = arith.constant 0 : i32
    %dma_wait3A_279 = tpu.memref_slice %arg3[%arg0, %arg1, %dma_wait3A_270, %dma_wait3A_276, %dma_wait3A_277, %dma_wait3A_278] : memref<2x16x40x2x2x128xi32, #tpu.memory_space<hbm>> -> memref<1x1x1x2x2x128xi32, #tpu.memory_space<hbm>>
    %dma_wait3A_280 = tpu.memref_squeeze %dma_wait3A_279 : memref<1x1x1x2x2x128xi32, #tpu.memory_space<hbm>> -> memref<2x2x128xi32, #tpu.memory_space<hbm>>
    tpu.wait_dma2 semaphore(%arg17 : memref<!tpu.dma_semaphore, #tpu.memory_space<semaphore_mem>>) src(%dma_wait3A_280 : memref<2x2x128xi32, #tpu.memory_space<hbm>>) dst(%arg9 : memref<2x2x128xi32, #tpu.memory_space<vmem>>)
    %dma_wait3A_281 = arith.constant 1 : i32
    %dma_wait3A_282 = arith.constant 0 : i32
    %dma_wait3A_283 = arith.constant 0 : i32
    %dma_wait3A_284 = arith.constant 0 : i32
    %dma_wait3A_285 = tpu.memref_slice %arg11[%dma_wait3A_283, %dma_wait3A_284] : memref<256x128xbf16, #tpu.memory_space<vmem>> -> memref<128x128xbf16, #tpu.memory_space<vmem>>
    %dma_wait3A_286 = arith.constant 0 : i32
    %dma_wait3A_287 = tpu.memref_slice %arg7[%dma_wait3A_281, %dma_wait3A_282, %dma_wait3A_286] : memref<2x2x128xi32, #tpu.memory_space<vmem>> -> memref<1x1x128xi32, #tpu.memory_space<vmem>>
    %dma_wait3A_288 = tpu.memref_squeeze %dma_wait3A_287 : memref<1x1x128xi32, #tpu.memory_space<vmem>> -> memref<128xi32, #tpu.memory_space<vmem>>
    %dma_wait3A_289 = arith.constant 0 : i32
    %dma_wait3A_290 = arith.constant 0 : i32
    %dma_wait3A_291 = tpu.memref_slice %arg12[%dma_wait3A_289, %dma_wait3A_290] : memref<10496x128xbf16, #tpu.memory_space<vmem_shared>> -> memref<10496x128xbf16, #tpu.memory_space<vmem_shared>>
    tpu.wait_indirect_dma semaphore(%arg21 : memref<!tpu.dma_semaphore, #tpu.memory_space<semaphore_mem>>) src(%dma_wait3A_285 : memref<128x128xbf16, #tpu.memory_space<vmem>>) dst(%dma_wait3A_291 : memref<10496x128xbf16, #tpu.memory_space<vmem_shared>>)
    %dma_wait3A_292 = arith.constant 1 : i32
    %dma_wait3A_293 = arith.constant 1 : i32
    %dma_wait3A_294 = arith.constant 128 : i32
    %dma_wait3A_295 = arith.constant 0 : i32
    %dma_wait3A_296 = tpu.memref_slice %arg11[%dma_wait3A_294, %dma_wait3A_295] : memref<256x128xbf16, #tpu.memory_space<vmem>> -> memref<128x128xbf16, #tpu.memory_space<vmem>>
    %dma_wait3A_297 = arith.constant 0 : i32
    %dma_wait3A_298 = tpu.memref_slice %arg7[%dma_wait3A_292, %dma_wait3A_293, %dma_wait3A_297] : memref<2x2x128xi32, #tpu.memory_space<vmem>> -> memref<1x1x128xi32, #tpu.memory_space<vmem>>
    %dma_wait3A_299 = tpu.memref_squeeze %dma_wait3A_298 : memref<1x1x128xi32, #tpu.memory_space<vmem>> -> memref<128xi32, #tpu.memory_space<vmem>>
    %dma_wait3A_300 = arith.constant 0 : i32
    %dma_wait3A_301 = arith.constant 0 : i32
    %dma_wait3A_302 = tpu.memref_slice %arg12[%dma_wait3A_300, %dma_wait3A_301] : memref<10496x128xbf16, #tpu.memory_space<vmem_shared>> -> memref<10496x128xbf16, #tpu.memory_space<vmem_shared>>
    tpu.wait_indirect_dma semaphore(%arg21 : memref<!tpu.dma_semaphore, #tpu.memory_space<semaphore_mem>>) src(%dma_wait3A_296 : memref<128x128xbf16, #tpu.memory_space<vmem>>) dst(%dma_wait3A_302 : memref<10496x128xbf16, #tpu.memory_space<vmem_shared>>)
    %dma_start3A_303 = arith.constant 0 : i32
    %dma_start3A_304 = arith.constant 0 : i32
    %dma_start3A_305 = arith.constant 0 : i32
    %dma_start3A_306 = arith.constant 0 : i32
    %dma_start3A_307 = tpu.memref_slice %arg11[%dma_start3A_305, %dma_start3A_306] : memref<256x128xbf16, #tpu.memory_space<vmem>> -> memref<128x128xbf16, #tpu.memory_space<vmem>>
    %dma_start3A_308 = arith.constant 0 : i32
    %dma_start3A_309 = tpu.memref_slice %arg9[%dma_start3A_303, %dma_start3A_304, %dma_start3A_308] : memref<2x2x128xi32, #tpu.memory_space<vmem>> -> memref<1x1x128xi32, #tpu.memory_space<vmem>>
    %dma_start3A_310 = tpu.memref_squeeze %dma_start3A_309 : memref<1x1x128xi32, #tpu.memory_space<vmem>> -> memref<128xi32, #tpu.memory_space<vmem>>
    %dma_start3A_311 = arith.constant 0 : i32
    %dma_start3A_312 = arith.constant 0 : i32
    %dma_start3A_313 = tpu.memref_slice %arg13[%dma_start3A_311, %dma_start3A_312] : memref<10240x128xbf16, #tpu.memory_space<vmem_shared>> -> memref<10240x128xbf16, #tpu.memory_space<vmem_shared>>
    tpu.enqueue_indirect_dma source(%dma_start3A_313 : memref<10240x128xbf16, #tpu.memory_space<vmem_shared>>) target(%dma_start3A_307 : memref<128x128xbf16, #tpu.memory_space<vmem>>) offsets(%dma_start3A_310 : memref<128xi32, #tpu.memory_space<vmem>>) semaphore(%arg19 : memref<!tpu.dma_semaphore, #tpu.memory_space<semaphore_mem>>)
    %dma_start3A_314 = arith.constant 0 : i32
    %dma_start3A_315 = arith.constant 1 : i32
    %dma_start3A_316 = arith.constant 128 : i32
    %dma_start3A_317 = arith.constant 0 : i32
    %dma_start3A_318 = tpu.memref_slice %arg11[%dma_start3A_316, %dma_start3A_317] : memref<256x128xbf16, #tpu.memory_space<vmem>> -> memref<128x128xbf16, #tpu.memory_space<vmem>>
    %dma_start3A_319 = arith.constant 0 : i32
    %dma_start3A_320 = tpu.memref_slice %arg9[%dma_start3A_314, %dma_start3A_315, %dma_start3A_319] : memref<2x2x128xi32, #tpu.memory_space<vmem>> -> memref<1x1x128xi32, #tpu.memory_space<vmem>>
    %dma_start3A_321 = tpu.memref_squeeze %dma_start3A_320 : memref<1x1x128xi32, #tpu.memory_space<vmem>> -> memref<128xi32, #tpu.memory_space<vmem>>
    %dma_start3A_322 = arith.constant 0 : i32
    %dma_start3A_323 = arith.constant 0 : i32
    %dma_start3A_324 = tpu.memref_slice %arg13[%dma_start3A_322, %dma_start3A_323] : memref<10240x128xbf16, #tpu.memory_space<vmem_shared>> -> memref<10240x128xbf16, #tpu.memory_space<vmem_shared>>
    tpu.enqueue_indirect_dma source(%dma_start3A_324 : memref<10240x128xbf16, #tpu.memory_space<vmem_shared>>) target(%dma_start3A_318 : memref<128x128xbf16, #tpu.memory_space<vmem>>) offsets(%dma_start3A_321 : memref<128xi32, #tpu.memory_space<vmem>>) semaphore(%arg19 : memref<!tpu.dma_semaphore, #tpu.memory_space<semaphore_mem>>)
    %dma_wait3A_325 = arith.constant 0 : i32
    %dma_wait3A_326 = arith.constant 0 : i32
    %dma_wait3A_327 = arith.constant 0 : i32
    %dma_wait3A_328 = arith.constant 0 : i32
    %dma_wait3A_329 = tpu.memref_slice %arg10[%dma_wait3A_327, %dma_wait3A_328] : memref<256x128xbf16, #tpu.memory_space<vmem>> -> memref<128x128xbf16, #tpu.memory_space<vmem>>
    %dma_wait3A_330 = arith.constant 0 : i32
    %dma_wait3A_331 = tpu.memref_slice %arg8[%dma_wait3A_325, %dma_wait3A_326, %dma_wait3A_330] : memref<2x2x128xi32, #tpu.memory_space<vmem>> -> memref<1x1x128xi32, #tpu.memory_space<vmem>>
    %dma_wait3A_332 = tpu.memref_squeeze %dma_wait3A_331 : memref<1x1x128xi32, #tpu.memory_space<vmem>> -> memref<128xi32, #tpu.memory_space<vmem>>
    %dma_wait3A_333 = arith.constant 0 : i32
    %dma_wait3A_334 = arith.constant 0 : i32
    %dma_wait3A_335 = tpu.memref_slice %arg13[%dma_wait3A_333, %dma_wait3A_334] : memref<10240x128xbf16, #tpu.memory_space<vmem_shared>> -> memref<10240x128xbf16, #tpu.memory_space<vmem_shared>>
    tpu.wait_indirect_dma semaphore(%arg18 : memref<!tpu.dma_semaphore, #tpu.memory_space<semaphore_mem>>) src(%dma_wait3A_335 : memref<10240x128xbf16, #tpu.memory_space<vmem_shared>>) dst(%dma_wait3A_329 : memref<128x128xbf16, #tpu.memory_space<vmem>>)
    %dma_wait3A_336 = arith.constant 0 : i32
    %dma_wait3A_337 = arith.constant 1 : i32
    %dma_wait3A_338 = arith.constant 128 : i32
    %dma_wait3A_339 = arith.constant 0 : i32
    %dma_wait3A_340 = tpu.memref_slice %arg10[%dma_wait3A_338, %dma_wait3A_339] : memref<256x128xbf16, #tpu.memory_space<vmem>> -> memref<128x128xbf16, #tpu.memory_space<vmem>>
    %dma_wait3A_341 = arith.constant 0 : i32
    %dma_wait3A_342 = tpu.memref_slice %arg8[%dma_wait3A_336, %dma_wait3A_337, %dma_wait3A_341] : memref<2x2x128xi32, #tpu.memory_space<vmem>> -> memref<1x1x128xi32, #tpu.memory_space<vmem>>
    %dma_wait3A_343 = tpu.memref_squeeze %dma_wait3A_342 : memref<1x1x128xi32, #tpu.memory_space<vmem>> -> memref<128xi32, #tpu.memory_space<vmem>>
    %dma_wait3A_344 = arith.constant 0 : i32
    %dma_wait3A_345 = arith.constant 0 : i32
    %dma_wait3A_346 = tpu.memref_slice %arg13[%dma_wait3A_344, %dma_wait3A_345] : memref<10240x128xbf16, #tpu.memory_space<vmem_shared>> -> memref<10240x128xbf16, #tpu.memory_space<vmem_shared>>
    tpu.wait_indirect_dma semaphore(%arg18 : memref<!tpu.dma_semaphore, #tpu.memory_space<semaphore_mem>>) src(%dma_wait3A_346 : memref<10240x128xbf16, #tpu.memory_space<vmem_shared>>) dst(%dma_wait3A_340 : memref<128x128xbf16, #tpu.memory_space<vmem>>)
    %dma_start3A_347 = arith.constant 1 : i32
    %dma_start3A_348 = arith.constant 0 : i32
    %dma_start3A_349 = arith.constant 0 : i32
    %dma_start3A_350 = arith.constant 0 : i32
    %dma_start3A_351 = tpu.memref_slice %arg10[%dma_start3A_349, %dma_start3A_350] : memref<256x128xbf16, #tpu.memory_space<vmem>> -> memref<128x128xbf16, #tpu.memory_space<vmem>>
    %dma_start3A_352 = arith.constant 0 : i32
    %dma_start3A_353 = tpu.memref_slice %arg8[%dma_start3A_347, %dma_start3A_348, %dma_start3A_352] : memref<2x2x128xi32, #tpu.memory_space<vmem>> -> memref<1x1x128xi32, #tpu.memory_space<vmem>>
    %dma_start3A_354 = tpu.memref_squeeze %dma_start3A_353 : memref<1x1x128xi32, #tpu.memory_space<vmem>> -> memref<128xi32, #tpu.memory_space<vmem>>
    %dma_start3A_355 = arith.constant 0 : i32
    %dma_start3A_356 = arith.constant 0 : i32
    %dma_start3A_357 = tpu.memref_slice %arg12[%dma_start3A_355, %dma_start3A_356] : memref<10496x128xbf16, #tpu.memory_space<vmem_shared>> -> memref<10496x128xbf16, #tpu.memory_space<vmem_shared>>
    tpu.enqueue_indirect_dma source(%dma_start3A_351 : memref<128x128xbf16, #tpu.memory_space<vmem>>) target(%dma_start3A_357 : memref<10496x128xbf16, #tpu.memory_space<vmem_shared>>) offsets(%dma_start3A_354 : memref<128xi32, #tpu.memory_space<vmem>>) semaphore(%arg20 : memref<!tpu.dma_semaphore, #tpu.memory_space<semaphore_mem>>) {add = true}
    %dma_start3A_358 = arith.constant 1 : i32
    %dma_start3A_359 = arith.constant 1 : i32
    %dma_start3A_360 = arith.constant 128 : i32
    %dma_start3A_361 = arith.constant 0 : i32
    %dma_start3A_362 = tpu.memref_slice %arg10[%dma_start3A_360, %dma_start3A_361] : memref<256x128xbf16, #tpu.memory_space<vmem>> -> memref<128x128xbf16, #tpu.memory_space<vmem>>
    %dma_start3A_363 = arith.constant 0 : i32
    %dma_start3A_364 = tpu.memref_slice %arg8[%dma_start3A_358, %dma_start3A_359, %dma_start3A_363] : memref<2x2x128xi32, #tpu.memory_space<vmem>> -> memref<1x1x128xi32, #tpu.memory_space<vmem>>
    %dma_start3A_365 = tpu.memref_squeeze %dma_start3A_364 : memref<1x1x128xi32, #tpu.memory_space<vmem>> -> memref<128xi32, #tpu.memory_space<vmem>>
    %dma_start3A_366 = arith.constant 0 : i32
    %dma_start3A_367 = arith.constant 0 : i32
    %dma_start3A_368 = tpu.memref_slice %arg12[%dma_start3A_366, %dma_start3A_367] : memref<10496x128xbf16, #tpu.memory_space<vmem_shared>> -> memref<10496x128xbf16, #tpu.memory_space<vmem_shared>>
    tpu.enqueue_indirect_dma source(%dma_start3A_362 : memref<128x128xbf16, #tpu.memory_space<vmem>>) target(%dma_start3A_368 : memref<10496x128xbf16, #tpu.memory_space<vmem_shared>>) offsets(%dma_start3A_365 : memref<128xi32, #tpu.memory_space<vmem>>) semaphore(%arg20 : memref<!tpu.dma_semaphore, #tpu.memory_space<semaphore_mem>>) {add = true}
    %dma_wait3A_369 = arith.constant 1 : i32
    %dma_wait3A_370 = arith.constant 0 : i32
    %dma_wait3A_371 = arith.constant 0 : i32
    %dma_wait3A_372 = arith.constant 0 : i32
    %dma_wait3A_373 = tpu.memref_slice %arg10[%dma_wait3A_371, %dma_wait3A_372] : memref<256x128xbf16, #tpu.memory_space<vmem>> -> memref<128x128xbf16, #tpu.memory_space<vmem>>
    %dma_wait3A_374 = arith.constant 0 : i32
    %dma_wait3A_375 = tpu.memref_slice %arg8[%dma_wait3A_369, %dma_wait3A_370, %dma_wait3A_374] : memref<2x2x128xi32, #tpu.memory_space<vmem>> -> memref<1x1x128xi32, #tpu.memory_space<vmem>>
    %dma_wait3A_376 = tpu.memref_squeeze %dma_wait3A_375 : memref<1x1x128xi32, #tpu.memory_space<vmem>> -> memref<128xi32, #tpu.memory_space<vmem>>
    %dma_wait3A_377 = arith.constant 0 : i32
    %dma_wait3A_378 = arith.constant 0 : i32
    %dma_wait3A_379 = tpu.memref_slice %arg12[%dma_wait3A_377, %dma_wait3A_378] : memref<10496x128xbf16, #tpu.memory_space<vmem_shared>> -> memref<10496x128xbf16, #tpu.memory_space<vmem_shared>>
    tpu.wait_indirect_dma semaphore(%arg20 : memref<!tpu.dma_semaphore, #tpu.memory_space<semaphore_mem>>) src(%dma_wait3A_373 : memref<128x128xbf16, #tpu.memory_space<vmem>>) dst(%dma_wait3A_379 : memref<10496x128xbf16, #tpu.memory_space<vmem_shared>>)
    %dma_wait3A_380 = arith.constant 1 : i32
    %dma_wait3A_381 = arith.constant 1 : i32
    %dma_wait3A_382 = arith.constant 128 : i32
    %dma_wait3A_383 = arith.constant 0 : i32
    %dma_wait3A_384 = tpu.memref_slice %arg10[%dma_wait3A_382, %dma_wait3A_383] : memref<256x128xbf16, #tpu.memory_space<vmem>> -> memref<128x128xbf16, #tpu.memory_space<vmem>>
    %dma_wait3A_385 = arith.constant 0 : i32
    %dma_wait3A_386 = tpu.memref_slice %arg8[%dma_wait3A_380, %dma_wait3A_381, %dma_wait3A_385] : memref<2x2x128xi32, #tpu.memory_space<vmem>> -> memref<1x1x128xi32, #tpu.memory_space<vmem>>
    %dma_wait3A_387 = tpu.memref_squeeze %dma_wait3A_386 : memref<1x1x128xi32, #tpu.memory_space<vmem>> -> memref<128xi32, #tpu.memory_space<vmem>>
    %dma_wait3A_388 = arith.constant 0 : i32
    %dma_wait3A_389 = arith.constant 0 : i32
    %dma_wait3A_390 = tpu.memref_slice %arg12[%dma_wait3A_388, %dma_wait3A_389] : memref<10496x128xbf16, #tpu.memory_space<vmem_shared>> -> memref<10496x128xbf16, #tpu.memory_space<vmem_shared>>
    tpu.wait_indirect_dma semaphore(%arg20 : memref<!tpu.dma_semaphore, #tpu.memory_space<semaphore_mem>>) src(%dma_wait3A_384 : memref<128x128xbf16, #tpu.memory_space<vmem>>) dst(%dma_wait3A_390 : memref<10496x128xbf16, #tpu.memory_space<vmem_shared>>)
    %dma_wait3A_391 = arith.constant 0 : i32
    %dma_wait3A_392 = arith.constant 0 : i32
    %dma_wait3A_393 = arith.constant 0 : i32
    %dma_wait3A_394 = arith.constant 0 : i32
    %dma_wait3A_395 = tpu.memref_slice %arg11[%dma_wait3A_393, %dma_wait3A_394] : memref<256x128xbf16, #tpu.memory_space<vmem>> -> memref<128x128xbf16, #tpu.memory_space<vmem>>
    %dma_wait3A_396 = arith.constant 0 : i32
    %dma_wait3A_397 = tpu.memref_slice %arg9[%dma_wait3A_391, %dma_wait3A_392, %dma_wait3A_396] : memref<2x2x128xi32, #tpu.memory_space<vmem>> -> memref<1x1x128xi32, #tpu.memory_space<vmem>>
    %dma_wait3A_398 = tpu.memref_squeeze %dma_wait3A_397 : memref<1x1x128xi32, #tpu.memory_space<vmem>> -> memref<128xi32, #tpu.memory_space<vmem>>
    %dma_wait3A_399 = arith.constant 0 : i32
    %dma_wait3A_400 = arith.constant 0 : i32
    %dma_wait3A_401 = tpu.memref_slice %arg13[%dma_wait3A_399, %dma_wait3A_400] : memref<10240x128xbf16, #tpu.memory_space<vmem_shared>> -> memref<10240x128xbf16, #tpu.memory_space<vmem_shared>>
    tpu.wait_indirect_dma semaphore(%arg19 : memref<!tpu.dma_semaphore, #tpu.memory_space<semaphore_mem>>) src(%dma_wait3A_401 : memref<10240x128xbf16, #tpu.memory_space<vmem_shared>>) dst(%dma_wait3A_395 : memref<128x128xbf16, #tpu.memory_space<vmem>>)
    %dma_wait3A_402 = arith.constant 0 : i32
    %dma_wait3A_403 = arith.constant 1 : i32
    %dma_wait3A_404 = arith.constant 128 : i32
    %dma_wait3A_405 = arith.constant 0 : i32
    %dma_wait3A_406 = tpu.memref_slice %arg11[%dma_wait3A_404, %dma_wait3A_405] : memref<256x128xbf16, #tpu.memory_space<vmem>> -> memref<128x128xbf16, #tpu.memory_space<vmem>>
    %dma_wait3A_407 = arith.constant 0 : i32
    %dma_wait3A_408 = tpu.memref_slice %arg9[%dma_wait3A_402, %dma_wait3A_403, %dma_wait3A_407] : memref<2x2x128xi32, #tpu.memory_space<vmem>> -> memref<1x1x128xi32, #tpu.memory_space<vmem>>
    %dma_wait3A_409 = tpu.memref_squeeze %dma_wait3A_408 : memref<1x1x128xi32, #tpu.memory_space<vmem>> -> memref<128xi32, #tpu.memory_space<vmem>>
    %dma_wait3A_410 = arith.constant 0 : i32
    %dma_wait3A_411 = arith.constant 0 : i32
    %dma_wait3A_412 = tpu.memref_slice %arg13[%dma_wait3A_410, %dma_wait3A_411] : memref<10240x128xbf16, #tpu.memory_space<vmem_shared>> -> memref<10240x128xbf16, #tpu.memory_space<vmem_shared>>
    tpu.wait_indirect_dma semaphore(%arg19 : memref<!tpu.dma_semaphore, #tpu.memory_space<semaphore_mem>>) src(%dma_wait3A_412 : memref<10240x128xbf16, #tpu.memory_space<vmem_shared>>) dst(%dma_wait3A_406 : memref<128x128xbf16, #tpu.memory_space<vmem>>)
    %dma_start3A_413 = arith.constant 1 : i32
    %dma_start3A_414 = arith.constant 0 : i32
    %dma_start3A_415 = arith.constant 0 : i32
    %dma_start3A_416 = arith.constant 0 : i32
    %dma_start3A_417 = tpu.memref_slice %arg11[%dma_start3A_415, %dma_start3A_416] : memref<256x128xbf16, #tpu.memory_space<vmem>> -> memref<128x128xbf16, #tpu.memory_space<vmem>>
    %dma_start3A_418 = arith.constant 0 : i32
    %dma_start3A_419 = tpu.memref_slice %arg9[%dma_start3A_413, %dma_start3A_414, %dma_start3A_418] : memref<2x2x128xi32, #tpu.memory_space<vmem>> -> memref<1x1x128xi32, #tpu.memory_space<vmem>>
    %dma_start3A_420 = tpu.memref_squeeze %dma_start3A_419 : memref<1x1x128xi32, #tpu.memory_space<vmem>> -> memref<128xi32, #tpu.memory_space<vmem>>
    %dma_start3A_421 = arith.constant 0 : i32
    %dma_start3A_422 = arith.constant 0 : i32
    %dma_start3A_423 = tpu.memref_slice %arg12[%dma_start3A_421, %dma_start3A_422] : memref<10496x128xbf16, #tpu.memory_space<vmem_shared>> -> memref<10496x128xbf16, #tpu.memory_space<vmem_shared>>
    tpu.enqueue_indirect_dma source(%dma_start3A_417 : memref<128x128xbf16, #tpu.memory_space<vmem>>) target(%dma_start3A_423 : memref<10496x128xbf16, #tpu.memory_space<vmem_shared>>) offsets(%dma_start3A_420 : memref<128xi32, #tpu.memory_space<vmem>>) semaphore(%arg21 : memref<!tpu.dma_semaphore, #tpu.memory_space<semaphore_mem>>) {add = true}
    %dma_start3A_424 = arith.constant 1 : i32
    %dma_start3A_425 = arith.constant 1 : i32
    %dma_start3A_426 = arith.constant 128 : i32
    %dma_start3A_427 = arith.constant 0 : i32
    %dma_start3A_428 = tpu.memref_slice %arg11[%dma_start3A_426, %dma_start3A_427] : memref<256x128xbf16, #tpu.memory_space<vmem>> -> memref<128x128xbf16, #tpu.memory_space<vmem>>
    %dma_start3A_429 = arith.constant 0 : i32
    %dma_start3A_430 = tpu.memref_slice %arg9[%dma_start3A_424, %dma_start3A_425, %dma_start3A_429] : memref<2x2x128xi32, #tpu.memory_space<vmem>> -> memref<1x1x128xi32, #tpu.memory_space<vmem>>
    %dma_start3A_431 = tpu.memref_squeeze %dma_start3A_430 : memref<1x1x128xi32, #tpu.memory_space<vmem>> -> memref<128xi32, #tpu.memory_space<vmem>>
    %dma_start3A_432 = arith.constant 0 : i32
    %dma_start3A_433 = arith.constant 0 : i32
    %dma_start3A_434 = tpu.memref_slice %arg12[%dma_start3A_432, %dma_start3A_433] : memref<10496x128xbf16, #tpu.memory_space<vmem_shared>> -> memref<10496x128xbf16, #tpu.memory_space<vmem_shared>>
    tpu.enqueue_indirect_dma source(%dma_start3A_428 : memref<128x128xbf16, #tpu.memory_space<vmem>>) target(%dma_start3A_434 : memref<10496x128xbf16, #tpu.memory_space<vmem_shared>>) offsets(%dma_start3A_431 : memref<128xi32, #tpu.memory_space<vmem>>) semaphore(%arg21 : memref<!tpu.dma_semaphore, #tpu.memory_space<semaphore_mem>>) {add = true}
    %dma_wait3A_435 = arith.constant 1 : i32
    %dma_wait3A_436 = arith.constant 0 : i32
    %dma_wait3A_437 = arith.constant 0 : i32
    %dma_wait3A_438 = arith.constant 0 : i32
    %dma_wait3A_439 = tpu.memref_slice %arg11[%dma_wait3A_437, %dma_wait3A_438] : memref<256x128xbf16, #tpu.memory_space<vmem>> -> memref<128x128xbf16, #tpu.memory_space<vmem>>
    %dma_wait3A_440 = arith.constant 0 : i32
    %dma_wait3A_441 = tpu.memref_slice %arg9[%dma_wait3A_435, %dma_wait3A_436, %dma_wait3A_440] : memref<2x2x128xi32, #tpu.memory_space<vmem>> -> memref<1x1x128xi32, #tpu.memory_space<vmem>>
    %dma_wait3A_442 = tpu.memref_squeeze %dma_wait3A_441 : memref<1x1x128xi32, #tpu.memory_space<vmem>> -> memref<128xi32, #tpu.memory_space<vmem>>
    %dma_wait3A_443 = arith.constant 0 : i32
    %dma_wait3A_444 = arith.constant 0 : i32
    %dma_wait3A_445 = tpu.memref_slice %arg12[%dma_wait3A_443, %dma_wait3A_444] : memref<10496x128xbf16, #tpu.memory_space<vmem_shared>> -> memref<10496x128xbf16, #tpu.memory_space<vmem_shared>>
    tpu.wait_indirect_dma semaphore(%arg21 : memref<!tpu.dma_semaphore, #tpu.memory_space<semaphore_mem>>) src(%dma_wait3A_439 : memref<128x128xbf16, #tpu.memory_space<vmem>>) dst(%dma_wait3A_445 : memref<10496x128xbf16, #tpu.memory_space<vmem_shared>>)
    %dma_wait3A_446 = arith.constant 1 : i32
    %dma_wait3A_447 = arith.constant 1 : i32
    %dma_wait3A_448 = arith.constant 128 : i32
    %dma_wait3A_449 = arith.constant 0 : i32
    %dma_wait3A_450 = tpu.memref_slice %arg11[%dma_wait3A_448, %dma_wait3A_449] : memref<256x128xbf16, #tpu.memory_space<vmem>> -> memref<128x128xbf16, #tpu.memory_space<vmem>>
    %dma_wait3A_451 = arith.constant 0 : i32
    %dma_wait3A_452 = tpu.memref_slice %arg9[%dma_wait3A_446, %dma_wait3A_447, %dma_wait3A_451] : memref<2x2x128xi32, #tpu.memory_space<vmem>> -> memref<1x1x128xi32, #tpu.memory_space<vmem>>
    %dma_wait3A_453 = tpu.memref_squeeze %dma_wait3A_452 : memref<1x1x128xi32, #tpu.memory_space<vmem>> -> memref<128xi32, #tpu.memory_space<vmem>>
    %dma_wait3A_454 = arith.constant 0 : i32
    %dma_wait3A_455 = arith.constant 0 : i32
    %dma_wait3A_456 = tpu.memref_slice %arg12[%dma_wait3A_454, %dma_wait3A_455] : memref<10496x128xbf16, #tpu.memory_space<vmem_shared>> -> memref<10496x128xbf16, #tpu.memory_space<vmem_shared>>
    tpu.wait_indirect_dma semaphore(%arg21 : memref<!tpu.dma_semaphore, #tpu.memory_space<semaphore_mem>>) src(%dma_wait3A_450 : memref<128x128xbf16, #tpu.memory_space<vmem>>) dst(%dma_wait3A_456 : memref<10496x128xbf16, #tpu.memory_space<vmem_shared>>)
    %barrier3A_457 = arith.constant 0 : index
    tpu.barrier barrier_id(%barrier3A_457)
    %mul3A_458 = arith.constant 656 : i32
    %mul3A_459 = arith.muli %arg1, %mul3A_458 : i32
    %add3A_460 = arith.constant 0 : i32
    %add3A_461 = arith.addi %mul3A_459, %add3A_460 : i32
    "tpu.region"() ({
      %run_scoped3A = tpu.sem_alloc : memref<!tpu.dma_semaphore, #tpu.memory_space<semaphore_mem>>
      %dma_start3A_470 = arith.constant 0 : i32
      %dma_start3A_471 = arith.constant 0 : i32
      %dma_start3A_472 = tpu.memref_slice %arg10[%dma_start3A_470, %dma_start3A_471] : memref<256x128xbf16, #tpu.memory_space<vmem>> -> memref<256x128xbf16, #tpu.memory_space<vmem>>
      %dma_start3A_473 = arith.constant 0 : i32
      %dma_start3A_474 = tpu.memref_slice %arg12[%add3A_461, %dma_start3A_473] : memref<10496x128xbf16, #tpu.memory_space<vmem_shared>> -> memref<256x128xbf16, #tpu.memory_space<vmem_shared>>
      %dma_start3A_475 = arith.constant 0 : i32
      %dma_start3A_476 = arith.constant 0 : i32
      %dma_start3A_477 = tpu.memref_slice %arg10[%dma_start3A_475, %dma_start3A_476] : memref<256x128xbf16, #tpu.memory_space<vmem>> -> memref<256x128xbf16, #tpu.memory_space<vmem>>
      %dma_start3A_478 = arith.constant 0 : i32
      %dma_start3A_479 = tpu.memref_slice %arg12[%add3A_461, %dma_start3A_478] : memref<10496x128xbf16, #tpu.memory_space<vmem_shared>> -> memref<256x128xbf16, #tpu.memory_space<vmem_shared>>
      tpu.enqueue_dma source(%dma_start3A_479 : memref<256x128xbf16, #tpu.memory_space<vmem_shared>>) target(%dma_start3A_477 : memref<256x128xbf16, #tpu.memory_space<vmem>>) target_semaphore(%run_scoped3A : memref<!tpu.dma_semaphore, #tpu.memory_space<semaphore_mem>>)
      %dma_wait3A_480 = arith.constant 0 : i32
      %dma_wait3A_481 = arith.constant 0 : i32
      %dma_wait3A_482 = tpu.memref_slice %arg10[%dma_wait3A_480, %dma_wait3A_481] : memref<256x128xbf16, #tpu.memory_space<vmem>> -> memref<256x128xbf16, #tpu.memory_space<vmem>>
      %dma_wait3A_483 = arith.constant 0 : i32
      %dma_wait3A_484 = tpu.memref_slice %arg12[%add3A_461, %dma_wait3A_483] : memref<10496x128xbf16, #tpu.memory_space<vmem_shared>> -> memref<256x128xbf16, #tpu.memory_space<vmem_shared>>
      %dma_wait3A_485 = arith.constant 0 : i32
      %dma_wait3A_486 = arith.constant 0 : i32
      %dma_wait3A_487 = tpu.memref_slice %arg10[%dma_wait3A_485, %dma_wait3A_486] : memref<256x128xbf16, #tpu.memory_space<vmem>> -> memref<256x128xbf16, #tpu.memory_space<vmem>>
      %dma_wait3A_488 = arith.constant 0 : i32
      %dma_wait3A_489 = tpu.memref_slice %arg12[%add3A_461, %dma_wait3A_488] : memref<10496x128xbf16, #tpu.memory_space<vmem_shared>> -> memref<256x128xbf16, #tpu.memory_space<vmem_shared>>
      tpu.wait_dma2 semaphore(%run_scoped3A : memref<!tpu.dma_semaphore, #tpu.memory_space<semaphore_mem>>) src(%dma_wait3A_489 : memref<256x128xbf16, #tpu.memory_space<vmem_shared>>) dst(%dma_wait3A_487 : memref<256x128xbf16, #tpu.memory_space<vmem>>)
      tpu.yield
    }) : () -> ()
    "tpu.region"() ({
      %run_scoped3A = tpu.sem_alloc : memref<!tpu.dma_semaphore, #tpu.memory_space<semaphore_mem>>
      %dma_start3A_470 = arith.constant 0 : i32
      %dma_start3A_471 = arith.constant 0 : i32
      %dma_start3A_472 = tpu.memref_slice %arg10[%dma_start3A_470, %dma_start3A_471] : memref<256x128xbf16, #tpu.memory_space<vmem>> -> memref<256x128xbf16, #tpu.memory_space<vmem>>
      %dma_start3A_473 = arith.constant 0 : i32
      %dma_start3A_474 = tpu.memref_slice %arg5[%arg0, %add3A_461, %dma_start3A_473] : memref<2x10496x128xbf16, #tpu.memory_space<hbm>> -> memref<1x256x128xbf16, #tpu.memory_space<hbm>>
      %dma_start3A_475 = tpu.memref_squeeze %dma_start3A_474 : memref<1x256x128xbf16, #tpu.memory_space<hbm>> -> memref<256x128xbf16, #tpu.memory_space<hbm>>
      %dma_start3A_476 = arith.constant 0 : i32
      %dma_start3A_477 = tpu.memref_slice %arg5[%arg0, %add3A_461, %dma_start3A_476] : memref<2x10496x128xbf16, #tpu.memory_space<hbm>> -> memref<1x256x128xbf16, #tpu.memory_space<hbm>>
      %dma_start3A_478 = tpu.memref_squeeze %dma_start3A_477 : memref<1x256x128xbf16, #tpu.memory_space<hbm>> -> memref<256x128xbf16, #tpu.memory_space<hbm>>
      %dma_start3A_479 = arith.constant 0 : i32
      %dma_start3A_480 = arith.constant 0 : i32
      %dma_start3A_481 = tpu.memref_slice %arg10[%dma_start3A_479, %dma_start3A_480] : memref<256x128xbf16, #tpu.memory_space<vmem>> -> memref<256x128xbf16, #tpu.memory_space<vmem>>
      tpu.enqueue_dma source(%dma_start3A_481 : memref<256x128xbf16, #tpu.memory_space<vmem>>) target(%dma_start3A_478 : memref<256x128xbf16, #tpu.memory_space<hbm>>) target_semaphore(%run_scoped3A : memref<!tpu.dma_semaphore, #tpu.memory_space<semaphore_mem>>)
      %dma_wait3A_482 = arith.constant 0 : i32
      %dma_wait3A_483 = arith.constant 0 : i32
      %dma_wait3A_484 = tpu.memref_slice %arg10[%dma_wait3A_482, %dma_wait3A_483] : memref<256x128xbf16, #tpu.memory_space<vmem>> -> memref<256x128xbf16, #tpu.memory_space<vmem>>
      %dma_wait3A_485 = arith.constant 0 : i32
      %dma_wait3A_486 = tpu.memref_slice %arg5[%arg0, %add3A_461, %dma_wait3A_485] : memref<2x10496x128xbf16, #tpu.memory_space<hbm>> -> memref<1x256x128xbf16, #tpu.memory_space<hbm>>
      %dma_wait3A_487 = tpu.memref_squeeze %dma_wait3A_486 : memref<1x256x128xbf16, #tpu.memory_space<hbm>> -> memref<256x128xbf16, #tpu.memory_space<hbm>>
      %dma_wait3A_488 = arith.constant 0 : i32
      %dma_wait3A_489 = tpu.memref_slice %arg5[%arg0, %add3A_461, %dma_wait3A_488] : memref<2x10496x128xbf16, #tpu.memory_space<hbm>> -> memref<1x256x128xbf16, #tpu.memory_space<hbm>>
      %dma_wait3A_490 = tpu.memref_squeeze %dma_wait3A_489 : memref<1x256x128xbf16, #tpu.memory_space<hbm>> -> memref<256x128xbf16, #tpu.memory_space<hbm>>
      %dma_wait3A_491 = arith.constant 0 : i32
      %dma_wait3A_492 = arith.constant 0 : i32
      %dma_wait3A_493 = tpu.memref_slice %arg10[%dma_wait3A_491, %dma_wait3A_492] : memref<256x128xbf16, #tpu.memory_space<vmem>> -> memref<256x128xbf16, #tpu.memory_space<vmem>>
      tpu.wait_dma2 semaphore(%run_scoped3A : memref<!tpu.dma_semaphore, #tpu.memory_space<semaphore_mem>>) src(%dma_wait3A_493 : memref<256x128xbf16, #tpu.memory_space<vmem>>) dst(%dma_wait3A_490 : memref<256x128xbf16, #tpu.memory_space<hbm>>)
      tpu.yield
    }) : () -> ()
    %mul3A_462 = arith.constant 656 : i32
    %mul3A_463 = arith.muli %arg1, %mul3A_462 : i32
    %add3A_464 = arith.constant 256 : i32
    %add3A_465 = arith.addi %mul3A_463, %add3A_464 : i32
    "tpu.region"() ({
      %run_scoped3A = tpu.sem_alloc : memref<!tpu.dma_semaphore, #tpu.memory_space<semaphore_mem>>
      %dma_start3A_470 = arith.constant 0 : i32
      %dma_start3A_471 = arith.constant 0 : i32
      %dma_start3A_472 = tpu.memref_slice %arg11[%dma_start3A_470, %dma_start3A_471] : memref<256x128xbf16, #tpu.memory_space<vmem>> -> memref<256x128xbf16, #tpu.memory_space<vmem>>
      %dma_start3A_473 = arith.constant 0 : i32
      %dma_start3A_474 = tpu.memref_slice %arg12[%add3A_465, %dma_start3A_473] : memref<10496x128xbf16, #tpu.memory_space<vmem_shared>> -> memref<256x128xbf16, #tpu.memory_space<vmem_shared>>
      %dma_start3A_475 = arith.constant 0 : i32
      %dma_start3A_476 = arith.constant 0 : i32
      %dma_start3A_477 = tpu.memref_slice %arg11[%dma_start3A_475, %dma_start3A_476] : memref<256x128xbf16, #tpu.memory_space<vmem>> -> memref<256x128xbf16, #tpu.memory_space<vmem>>
      %dma_start3A_478 = arith.constant 0 : i32
      %dma_start3A_479 = tpu.memref_slice %arg12[%add3A_465, %dma_start3A_478] : memref<10496x128xbf16, #tpu.memory_space<vmem_shared>> -> memref<256x128xbf16, #tpu.memory_space<vmem_shared>>
      tpu.enqueue_dma source(%dma_start3A_479 : memref<256x128xbf16, #tpu.memory_space<vmem_shared>>) target(%dma_start3A_477 : memref<256x128xbf16, #tpu.memory_space<vmem>>) target_semaphore(%run_scoped3A : memref<!tpu.dma_semaphore, #tpu.memory_space<semaphore_mem>>)
      %dma_wait3A_480 = arith.constant 0 : i32
      %dma_wait3A_481 = arith.constant 0 : i32
      %dma_wait3A_482 = tpu.memref_slice %arg11[%dma_wait3A_480, %dma_wait3A_481] : memref<256x128xbf16, #tpu.memory_space<vmem>> -> memref<256x128xbf16, #tpu.memory_space<vmem>>
      %dma_wait3A_483 = arith.constant 0 : i32
      %dma_wait3A_484 = tpu.memref_slice %arg12[%add3A_465, %dma_wait3A_483] : memref<10496x128xbf16, #tpu.memory_space<vmem_shared>> -> memref<256x128xbf16, #tpu.memory_space<vmem_shared>>
      %dma_wait3A_485 = arith.constant 0 : i32
      %dma_wait3A_486 = arith.constant 0 : i32
      %dma_wait3A_487 = tpu.memref_slice %arg11[%dma_wait3A_485, %dma_wait3A_486] : memref<256x128xbf16, #tpu.memory_space<vmem>> -> memref<256x128xbf16, #tpu.memory_space<vmem>>
      %dma_wait3A_488 = arith.constant 0 : i32
      %dma_wait3A_489 = tpu.memref_slice %arg12[%add3A_465, %dma_wait3A_488] : memref<10496x128xbf16, #tpu.memory_space<vmem_shared>> -> memref<256x128xbf16, #tpu.memory_space<vmem_shared>>
      tpu.wait_dma2 semaphore(%run_scoped3A : memref<!tpu.dma_semaphore, #tpu.memory_space<semaphore_mem>>) src(%dma_wait3A_489 : memref<256x128xbf16, #tpu.memory_space<vmem_shared>>) dst(%dma_wait3A_487 : memref<256x128xbf16, #tpu.memory_space<vmem>>)
      tpu.yield
    }) : () -> ()
    "tpu.region"() ({
      %run_scoped3A = tpu.sem_alloc : memref<!tpu.dma_semaphore, #tpu.memory_space<semaphore_mem>>
      %dma_start3A_470 = arith.constant 0 : i32
      %dma_start3A_471 = arith.constant 0 : i32
      %dma_start3A_472 = tpu.memref_slice %arg11[%dma_start3A_470, %dma_start3A_471] : memref<256x128xbf16, #tpu.memory_space<vmem>> -> memref<256x128xbf16, #tpu.memory_space<vmem>>
      %dma_start3A_473 = arith.constant 0 : i32
      %dma_start3A_474 = tpu.memref_slice %arg5[%arg0, %add3A_465, %dma_start3A_473] : memref<2x10496x128xbf16, #tpu.memory_space<hbm>> -> memref<1x256x128xbf16, #tpu.memory_space<hbm>>
      %dma_start3A_475 = tpu.memref_squeeze %dma_start3A_474 : memref<1x256x128xbf16, #tpu.memory_space<hbm>> -> memref<256x128xbf16, #tpu.memory_space<hbm>>
      %dma_start3A_476 = arith.constant 0 : i32
      %dma_start3A_477 = tpu.memref_slice %arg5[%arg0, %add3A_465, %dma_start3A_476] : memref<2x10496x128xbf16, #tpu.memory_space<hbm>> -> memref<1x256x128xbf16, #tpu.memory_space<hbm>>
      %dma_start3A_478 = tpu.memref_squeeze %dma_start3A_477 : memref<1x256x128xbf16, #tpu.memory_space<hbm>> -> memref<256x128xbf16, #tpu.memory_space<hbm>>
      %dma_start3A_479 = arith.constant 0 : i32
      %dma_start3A_480 = arith.constant 0 : i32
      %dma_start3A_481 = tpu.memref_slice %arg11[%dma_start3A_479, %dma_start3A_480] : memref<256x128xbf16, #tpu.memory_space<vmem>> -> memref<256x128xbf16, #tpu.memory_space<vmem>>
      tpu.enqueue_dma source(%dma_start3A_481 : memref<256x128xbf16, #tpu.memory_space<vmem>>) target(%dma_start3A_478 : memref<256x128xbf16, #tpu.memory_space<hbm>>) target_semaphore(%run_scoped3A : memref<!tpu.dma_semaphore, #tpu.memory_space<semaphore_mem>>)
      %dma_wait3A_482 = arith.constant 0 : i32
      %dma_wait3A_483 = arith.constant 0 : i32
      %dma_wait3A_484 = tpu.memref_slice %arg11[%dma_wait3A_482, %dma_wait3A_483] : memref<256x128xbf16, #tpu.memory_space<vmem>> -> memref<256x128xbf16, #tpu.memory_space<vmem>>
      %dma_wait3A_485 = arith.constant 0 : i32
      %dma_wait3A_486 = tpu.memref_slice %arg5[%arg0, %add3A_465, %dma_wait3A_485] : memref<2x10496x128xbf16, #tpu.memory_space<hbm>> -> memref<1x256x128xbf16, #tpu.memory_space<hbm>>
      %dma_wait3A_487 = tpu.memref_squeeze %dma_wait3A_486 : memref<1x256x128xbf16, #tpu.memory_space<hbm>> -> memref<256x128xbf16, #tpu.memory_space<hbm>>
      %dma_wait3A_488 = arith.constant 0 : i32
      %dma_wait3A_489 = tpu.memref_slice %arg5[%arg0, %add3A_465, %dma_wait3A_488] : memref<2x10496x128xbf16, #tpu.memory_space<hbm>> -> memref<1x256x128xbf16, #tpu.memory_space<hbm>>
      %dma_wait3A_490 = tpu.memref_squeeze %dma_wait3A_489 : memref<1x256x128xbf16, #tpu.memory_space<hbm>> -> memref<256x128xbf16, #tpu.memory_space<hbm>>
      %dma_wait3A_491 = arith.constant 0 : i32
      %dma_wait3A_492 = arith.constant 0 : i32
      %dma_wait3A_493 = tpu.memref_slice %arg11[%dma_wait3A_491, %dma_wait3A_492] : memref<256x128xbf16, #tpu.memory_space<vmem>> -> memref<256x128xbf16, #tpu.memory_space<vmem>>
      tpu.wait_dma2 semaphore(%run_scoped3A : memref<!tpu.dma_semaphore, #tpu.memory_space<semaphore_mem>>) src(%dma_wait3A_493 : memref<256x128xbf16, #tpu.memory_space<vmem>>) dst(%dma_wait3A_490 : memref<256x128xbf16, #tpu.memory_space<hbm>>)
      tpu.yield
    }) : () -> ()
    %mul3A_466 = arith.constant 656 : i32
    %mul3A_467 = arith.muli %arg1, %mul3A_466 : i32
    %add3A_468 = arith.constant 512 : i32
    %add3A_469 = arith.addi %mul3A_467, %add3A_468 : i32
    "tpu.region"() ({
      %run_scoped3A = tpu.sem_alloc : memref<!tpu.dma_semaphore, #tpu.memory_space<semaphore_mem>>
      %dma_start3A_470 = arith.constant 0 : i32
      %dma_start3A_471 = arith.constant 0 : i32
      %dma_start3A_472 = tpu.memref_slice %arg10[%dma_start3A_470, %dma_start3A_471] : memref<256x128xbf16, #tpu.memory_space<vmem>> -> memref<144x128xbf16, #tpu.memory_space<vmem>>
      %dma_start3A_473 = arith.constant 0 : i32
      %dma_start3A_474 = tpu.memref_slice %arg12[%add3A_469, %dma_start3A_473] : memref<10496x128xbf16, #tpu.memory_space<vmem_shared>> -> memref<144x128xbf16, #tpu.memory_space<vmem_shared>>
      %dma_start3A_475 = arith.constant 0 : i32
      %dma_start3A_476 = arith.constant 0 : i32
      %dma_start3A_477 = tpu.memref_slice %arg10[%dma_start3A_475, %dma_start3A_476] : memref<256x128xbf16, #tpu.memory_space<vmem>> -> memref<144x128xbf16, #tpu.memory_space<vmem>>
      %dma_start3A_478 = arith.constant 0 : i32
      %dma_start3A_479 = tpu.memref_slice %arg12[%add3A_469, %dma_start3A_478] : memref<10496x128xbf16, #tpu.memory_space<vmem_shared>> -> memref<144x128xbf16, #tpu.memory_space<vmem_shared>>
      tpu.enqueue_dma source(%dma_start3A_479 : memref<144x128xbf16, #tpu.memory_space<vmem_shared>>) target(%dma_start3A_477 : memref<144x128xbf16, #tpu.memory_space<vmem>>) target_semaphore(%run_scoped3A : memref<!tpu.dma_semaphore, #tpu.memory_space<semaphore_mem>>)
      %dma_wait3A_480 = arith.constant 0 : i32
      %dma_wait3A_481 = arith.constant 0 : i32
      %dma_wait3A_482 = tpu.memref_slice %arg10[%dma_wait3A_480, %dma_wait3A_481] : memref<256x128xbf16, #tpu.memory_space<vmem>> -> memref<144x128xbf16, #tpu.memory_space<vmem>>
      %dma_wait3A_483 = arith.constant 0 : i32
      %dma_wait3A_484 = tpu.memref_slice %arg12[%add3A_469, %dma_wait3A_483] : memref<10496x128xbf16, #tpu.memory_space<vmem_shared>> -> memref<144x128xbf16, #tpu.memory_space<vmem_shared>>
      %dma_wait3A_485 = arith.constant 0 : i32
      %dma_wait3A_486 = arith.constant 0 : i32
      %dma_wait3A_487 = tpu.memref_slice %arg10[%dma_wait3A_485, %dma_wait3A_486] : memref<256x128xbf16, #tpu.memory_space<vmem>> -> memref<144x128xbf16, #tpu.memory_space<vmem>>
      %dma_wait3A_488 = arith.constant 0 : i32
      %dma_wait3A_489 = tpu.memref_slice %arg12[%add3A_469, %dma_wait3A_488] : memref<10496x128xbf16, #tpu.memory_space<vmem_shared>> -> memref<144x128xbf16, #tpu.memory_space<vmem_shared>>
      tpu.wait_dma2 semaphore(%run_scoped3A : memref<!tpu.dma_semaphore, #tpu.memory_space<semaphore_mem>>) src(%dma_wait3A_489 : memref<144x128xbf16, #tpu.memory_space<vmem_shared>>) dst(%dma_wait3A_487 : memref<144x128xbf16, #tpu.memory_space<vmem>>)
      tpu.yield
    }) : () -> ()
    "tpu.region"() ({
      %run_scoped3A = tpu.sem_alloc : memref<!tpu.dma_semaphore, #tpu.memory_space<semaphore_mem>>
      %dma_start3A_470 = arith.constant 0 : i32
      %dma_start3A_471 = arith.constant 0 : i32
      %dma_start3A_472 = tpu.memref_slice %arg10[%dma_start3A_470, %dma_start3A_471] : memref<256x128xbf16, #tpu.memory_space<vmem>> -> memref<144x128xbf16, #tpu.memory_space<vmem>>
      %dma_start3A_473 = arith.constant 0 : i32
      %dma_start3A_474 = tpu.memref_slice %arg5[%arg0, %add3A_469, %dma_start3A_473] : memref<2x10496x128xbf16, #tpu.memory_space<hbm>> -> memref<1x144x128xbf16, #tpu.memory_space<hbm>>
      %dma_start3A_475 = tpu.memref_squeeze %dma_start3A_474 : memref<1x144x128xbf16, #tpu.memory_space<hbm>> -> memref<144x128xbf16, #tpu.memory_space<hbm>>
      %dma_start3A_476 = arith.constant 0 : i32
      %dma_start3A_477 = tpu.memref_slice %arg5[%arg0, %add3A_469, %dma_start3A_476] : memref<2x10496x128xbf16, #tpu.memory_space<hbm>> -> memref<1x144x128xbf16, #tpu.memory_space<hbm>>
      %dma_start3A_478 = tpu.memref_squeeze %dma_start3A_477 : memref<1x144x128xbf16, #tpu.memory_space<hbm>> -> memref<144x128xbf16, #tpu.memory_space<hbm>>
      %dma_start3A_479 = arith.constant 0 : i32
      %dma_start3A_480 = arith.constant 0 : i32
      %dma_start3A_481 = tpu.memref_slice %arg10[%dma_start3A_479, %dma_start3A_480] : memref<256x128xbf16, #tpu.memory_space<vmem>> -> memref<144x128xbf16, #tpu.memory_space<vmem>>
      tpu.enqueue_dma source(%dma_start3A_481 : memref<144x128xbf16, #tpu.memory_space<vmem>>) target(%dma_start3A_478 : memref<144x128xbf16, #tpu.memory_space<hbm>>) target_semaphore(%run_scoped3A : memref<!tpu.dma_semaphore, #tpu.memory_space<semaphore_mem>>)
      %dma_wait3A_482 = arith.constant 0 : i32
      %dma_wait3A_483 = arith.constant 0 : i32
      %dma_wait3A_484 = tpu.memref_slice %arg10[%dma_wait3A_482, %dma_wait3A_483] : memref<256x128xbf16, #tpu.memory_space<vmem>> -> memref<144x128xbf16, #tpu.memory_space<vmem>>
      %dma_wait3A_485 = arith.constant 0 : i32
      %dma_wait3A_486 = tpu.memref_slice %arg5[%arg0, %add3A_469, %dma_wait3A_485] : memref<2x10496x128xbf16, #tpu.memory_space<hbm>> -> memref<1x144x128xbf16, #tpu.memory_space<hbm>>
      %dma_wait3A_487 = tpu.memref_squeeze %dma_wait3A_486 : memref<1x144x128xbf16, #tpu.memory_space<hbm>> -> memref<144x128xbf16, #tpu.memory_space<hbm>>
      %dma_wait3A_488 = arith.constant 0 : i32
      %dma_wait3A_489 = tpu.memref_slice %arg5[%arg0, %add3A_469, %dma_wait3A_488] : memref<2x10496x128xbf16, #tpu.memory_space<hbm>> -> memref<1x144x128xbf16, #tpu.memory_space<hbm>>
      %dma_wait3A_490 = tpu.memref_squeeze %dma_wait3A_489 : memref<1x144x128xbf16, #tpu.memory_space<hbm>> -> memref<144x128xbf16, #tpu.memory_space<hbm>>
      %dma_wait3A_491 = arith.constant 0 : i32
      %dma_wait3A_492 = arith.constant 0 : i32
      %dma_wait3A_493 = tpu.memref_slice %arg10[%dma_wait3A_491, %dma_wait3A_492] : memref<256x128xbf16, #tpu.memory_space<vmem>> -> memref<144x128xbf16, #tpu.memory_space<vmem>>
      tpu.wait_dma2 semaphore(%run_scoped3A : memref<!tpu.dma_semaphore, #tpu.memory_space<semaphore_mem>>) src(%dma_wait3A_493 : memref<144x128xbf16, #tpu.memory_space<vmem>>) dst(%dma_wait3A_490 : memref<144x128xbf16, #tpu.memory_space<hbm>>)
      tpu.yield
    }) : () -> ()
    return
  }
}

module attributes {stable_mosaic.version = 14 : i64} {
  func.func @body(%arg0: i32, %arg1: memref<2x1000x128xbf16, #tpu.memory_space<vmem>>, %arg2: memref<1000x128xf32, #tpu.memory_space<vmem>>) attributes {dimension_semantics = [#tpu.dimension_semantics<arbitrary>], iteration_bounds = array<i64: 10>, scalar_prefetch = 0 : i64, scratch_operands = 0 : i64, tpu.core_type = #tpu.core_type<tc>, window_params = [{transform_indices = @transform_0, window_bounds = array<i64: 2, 1000, 128>}, {transform_indices = @transform_1, window_bounds = array<i64: 1000, 128>}]} {
    %get3A = arith.constant 0 : index
    %get3A_0 = arith.constant 0 : index
    %get3A_1 = arith.constant 0 : index
    %get3A_2 = vector.load %arg1[%get3A, %get3A_0, %get3A_1] : memref<2x1000x128xbf16, #tpu.memory_space<vmem>>, vector<1x1000x128xbf16>
    %get3A_3 = vector.shape_cast %get3A_2 : vector<1x1000x128xbf16> to vector<1000x128xbf16>
    %convert_element_type3A = arith.extf %get3A_3 : vector<1000x128xbf16> to vector<1000x128xf32>
    %get3A_4 = arith.constant 1 : index
    %get3A_5 = arith.constant 0 : index
    %get3A_6 = arith.constant 0 : index
    %get3A_7 = vector.load %arg1[%get3A_4, %get3A_5, %get3A_6] : memref<2x1000x128xbf16, #tpu.memory_space<vmem>>, vector<1x1000x128xbf16>
    %get3A_8 = vector.shape_cast %get3A_7 : vector<1x1000x128xbf16> to vector<1000x128xbf16>
    %convert_element_type3A_9 = arith.extf %get3A_8 : vector<1000x128xbf16> to vector<1000x128xf32>
    %add3A = arith.addf %convert_element_type3A, %convert_element_type3A_9 : vector<1000x128xf32>
    %swap3A = arith.constant 0 : index
    %swap3A_10 = arith.constant 0 : index
    %swap3A_11 = vector.load %arg2[%swap3A, %swap3A_10] : memref<1000x128xf32, #tpu.memory_space<vmem>>, vector<1000x128xf32>
    tpu.vector_store %arg2[%swap3A, %swap3A_10], %add3A {strides = array<i32>} : memref<1000x128xf32, #tpu.memory_space<vmem>>, vector<1000x128xf32>,
    return
  }
  func.func @transform_0(%arg0: i32) -> (i32, i32, i32) {
    %c0_i32 = arith.constant 0 : i32
    %c0_i32_0 = arith.constant 0 : i32
    %c0_i32_1 = arith.constant 0 : i32
    return %c0_i32, %arg0, %c0_i32_0 : i32, i32, i32
  }
  func.func @transform_1(%arg0: i32) -> (i32, i32) {
    %c0_i32 = arith.constant 0 : i32
    %c0_i32_0 = arith.constant 0 : i32
    return %arg0, %c0_i32 : i32, i32
  }
}

</mosaic_0001>

<sc_bundles>
// kernel: kernel.4.cloned.1.call-start
scs
__scs_entry_jumppad:
0x0: {  	(pc) =	sbr.rel $0x88, $3  }
0x1: {  	(tag) =	ssettag $0x0;
	lr =	simm.s32 $0x1  }
0x2: {  	[smem:$0x3F9F] =	sst lr;
	_ =	strace $0xD0000000  }
0x3: {  	_ = 	snop  }
0x4: {  	_ = 	snop  }
0x5: {  	_ = 	snop  }
0x6: {  	_ = 	snop  }
0x7: {  	_ = 	snop  }
__scs_overlays_trampoline_lowered:
0x8: {  	[smem:$0x3FAE] =	sst s0  }
0x9: {  	[smem:$0x3FAF] =	sst s1  }
0xa: {  	[smem:$0x3FB0] =	sst s2  }
0xb: {  	[smem:$0x3FB1] =	sst s3  }
0xc: {  	[smem:$0x3FB2] =	sst s4  }
0xd: {  	[smem:$0x3FB3] =	sst s5  }
0xe: {  	[smem:$0x3FB4] =	sst s6  }
0xf: {  	[smem:$0x3FB5] =	sst s7  }
0x10: {  	[smem:$0x3FB6] =	sst s8  }
0x11: {  	[smem:$0x3FB7] =	sst s9;
	s0 =	simm.s32 @!p0 $0x0  }
0x12: {  	s1 =	sld [smem:$0x3F9D];
	s0 =	simm.s32 @p0 $0x1  }
0x13: {  	[smem:$0x3FB8] =	sst s0;
	s0 =	simm.s32 @!p1 $0x0  }
0x14: {  	s2 =	sld [smem:$0x3F9C];
	s0 =	simm.s32 @p1 $0x1  }
0x15: {  	[smem:$0x3FB9] =	sst s0;
	s0 =	simm.s32 @!p2 $0x0  }
0x16: {  	s3 =	sld [smem:$0x3FDB];
	s0 =	simm.s32 @p2 $0x1  }
0x17: {  	s4 =	simm.s32 $0x1BF5;
	[smem:$0x3FBB] =	sst s0  }
0x18: {  	s0 =	sld [smem:$0x3F9E];
	_ =	swait.ge [sflag:s4], $0x0  }
0x19: {  	s7 =	sld [smem:$0x3F9F]  }
0x1a: {  	s8 =	sadd.s32 $0xFFFFE003, lr  }
0x1b: {  	s9 =	sadd.s32 $0xFFFFFEF7, lr;
	s5 =	simm.s32 $0xFFFFFFFF;
	p2 =	slt.u32 s8, $0xFFFFF086  }
0x1c: {  	p1 =	slt.u32 s9, $0xF7A;
	s5 =	simm.s32 @!p2 $0x0  }
0x1d: {  	s5 =	simm.s32 @p1 $0x1;
	p0 =	seq.s32 s7, s2  }
0x1e: {  	s7 =	smul.u32 @!p0 $0xF7A, s2;
	p2 =	seq.s32 @!p0 s5, $0x0  }
0x1f: {  	s9 =	smul.u32 $0xF7A, s1;
	s8 =	simm.s32 @!p0 $0x1BF5;
	p2 =	por !p2, p0  }
0x20: {  	[sflag:s8] =	ssyncset.s32 @!p0 $0xFFFFF086;
	s6 =	sadd.s32 @!p0 s3, s7;
	s7 =	simm.s32 @!p0 $0x108  }
0x21: {  	s3 =	sadd.s32 s3, s9;
	s6 =	sadd.s32 @!p0 $0x88, s6;
	s7 =	simm.s32 @p2 $0x1082  }
0x22: {  	[simem:s7], [sflag:s8] =	dma.local @!p0 [hbm:s6], $0xF7A  }
0x23: {  	s9 =	sor.u32 $0xD0000000, s2;
	s6 =	simm.s32 $0x108;
	_ =	swait.ge @!p0 [sflag:s8], $0x0  }
0x24: {  	s3 =	sadd.s32 $0x88, s3;
	s6 =	simm.s32 @!p1 $0x1082;
	[sflag:s4] =	ssyncset.s32 $0xFFFFF086  }
0x25: {  	[simem:s6], [sflag:s4] =	dma.local [hbm:s3], $0xF7A  }
0x26: {  	[smem:$0x3F9F] =	sst s1;
	(tag) =	ssettag s2;
	_ =	strace s9  }
0x27: {  	s1 =	sld [smem:$0x3FAF]  }
0x28: {  	s2 =	sld [smem:$0x3FB0]  }
0x29: {  	s4 =	sld [smem:$0x3FB2]  }
0x2a: {  	p0 =	seq.s32 s5, $0x0;
	s5 =	sld [smem:$0x3FB3]  }
0x2b: {  	s6 =	sld [smem:$0x3FB4]  }
0x2c: {  	s7 =	sld [smem:$0x3FB5]  }
0x2d: {  	s3 =	simm.s32 $0x108;
	s8 =	sld [smem:$0x3FB6]  }
0x2e: {  	s3 =	simm.s32 @!p0 $0x1082;
	s9 =	sld [smem:$0x3FB7]  }
0x2f: {  	lr =	sadd.s32 s0, s3;
	s0 =	sld [smem:$0x3FAE]  }
0x30: {  	s3 =	sld [smem:$0x3FB1]  }
0x31: {  	[smem:$0x3FBA] =	sst s10  }
0x32: {  	s10 =	sld [smem:$0x3FB8];
	_ =	sdelay $0x3  }
0x33: {  	p0 =	seq.s32 s10, $0x1;
	s10 =	sld [smem:$0x3FBA];
	_ =	sdelay $0x3  }
0x34: {  	[smem:$0x3FBA] =	sst s10  }
0x35: {  	s10 =	sld [smem:$0x3FB9];
	_ =	sdelay $0x3  }
0x36: {  	p1 =	seq.s32 s10, $0x1;
	s10 =	sld [smem:$0x3FBA];
	_ =	sdelay $0x3  }
0x37: {  	[smem:$0x3FBA] =	sst s10  }
0x38: {  	s10 =	sld [smem:$0x3FBB]  }
0x39: {  	_ = 	snop;
	(pc) =	sbr.ind lr, $3  }
0x3a: {  	_ = 	snop  }
0x3b: {  	_ = 	snop  }
0x3c: {  	p2 =	seq.s32 s10, $0x1;
	s10 =	sld [smem:$0x3FBA]  }
0x3d: {  	_ =	shalt  }
0x3e: {  	_ =	shalt  }
0x3f: {  	_ =	shalt  }
0x40: {  	_ =	shalt  }
0x41: {  	_ =	shalt  }
0x42: {  	_ =	shalt  }
0x43: {  	_ =	shalt  }
0x44: {  	_ =	shalt  }
0x45: {  	_ =	shalt  }
0x46: {  	_ =	shalt  }
0x47: {  	_ =	shalt  }
0x48: {  	_ =	shalt  }
0x49: {  	_ =	shalt  }
0x4a: {  	_ =	shalt  }
0x4b: {  	_ =	shalt  }
0x4c: {  	_ =	shalt  }
0x4d: {  	_ =	shalt  }
0x4e: {  	_ =	shalt  }
0x4f: {  	_ =	shalt  }
0x50: {  	_ =	shalt  }
0x51: {  	_ =	shalt  }
0x52: {  	_ =	shalt  }
0x53: {  	_ =	shalt  }
0x54: {  	_ =	shalt  }
0x55: {  	_ =	shalt  }
0x56: {  	_ =	shalt  }
0x57: {  	_ =	shalt  }
0x58: {  	_ =	shalt  }
0x59: {  	_ =	shalt  }
0x5a: {  	_ =	shalt  }
0x5b: {  	_ =	shalt  }
0x5c: {  	_ =	shalt  }
0x5d: {  	_ =	shalt  }
0x5e: {  	_ =	shalt  }
0x5f: {  	_ =	shalt  }
0x60: {  	_ =	shalt  }
0x61: {  	_ =	shalt  }
0x62: {  	_ =	shalt  }
0x63: {  	_ =	shalt  }
0x64: {  	_ =	shalt  }
0x65: {  	_ =	shalt  }
0x66: {  	_ =	shalt  }
0x67: {  	_ =	shalt  }
0x68: {  	_ =	shalt  }
0x69: {  	_ =	shalt  }
0x6a: {  	_ =	shalt  }
0x6b: {  	_ =	shalt  }
0x6c: {  	_ =	shalt  }
0x6d: {  	_ =	shalt  }
0x6e: {  	_ =	shalt  }
0x6f: {  	_ =	shalt  }
0x70: {  	_ =	shalt  }
0x71: {  	_ =	shalt  }
0x72: {  	_ =	shalt  }
0x73: {  	_ =	shalt  }
0x74: {  	_ =	shalt  }
0x75: {  	_ =	shalt  }
0x76: {  	_ =	shalt  }
0x77: {  	_ =	shalt  }
0x78: {  	_ =	shalt  }
0x79: {  	_ =	shalt  }
0x7a: {  	_ =	shalt  }
0x7b: {  	_ =	shalt  }
0x7c: {  	_ =	shalt  }
0x7d: {  	_ =	shalt  }
0x7e: {  	_ =	shalt  }
0x7f: {  	_ =	shalt  }
0x80: {  	_ =	shalt  }
0x81: {  	_ =	shalt  }
0x82: {  	_ =	shalt  }
0x83: {  	_ =	shalt  }
0x84: {  	_ =	shalt  }
0x85: {  	_ =	shalt  }
0x86: {  	_ =	shalt  }
0x87: {  	_ =	shalt  }
.Lfunc_end0:
.L_simem_size_0:
called_computation_lowered:
.L_overlay_start_0:
0x88: {  	s2 =	sld [smem:$0x3FD9]  }
0x89: {  	s3 =	sld [smem:$0x3FFE];
	_ =	sdelay $0x1  }
0x8a: {  	s1 =	srdreg.scid  }
0x8b: {  	s0 =	sand.u32 $0x1, s1  }
0x8c: {  	s14 =	sshll.u32 s0, $0xA;
	s2 =	sadd.s32 s3, s2  }
0x8d: {  	s2 =	sadd.s32 s2, s14  }
0x8e: {  	[smem:$0x3FC6] =	sst s2  }
0x8f: {  	_ = 	snop  }
0x90: {  	s2 =	sld [smem:$0x3FD0];
	_ =	sdelay $0x2  }
0x91: {  	s15 =	simm.s32 $0xA;
	s4 =	simm.s32 $0x10  }
0x92: {  	[smem:s4], [sflag:s15] =	dma.local [hbm:s2], $0x1  }
0x93: {  	_ =	swait.eq [sflag:s15], $0x1  }
0x94: {  	s16 =	sld [smem:$0x12];
	[sflag:s15] =	ssyncset.done $0x0  }
0x95: {  	s17 =	sld [smem:$0x13];
	[sflag:s15] =	ssyncadd.s32 $0xFFFFFFFF  }
0x96: {  	s18 =	sld [smem:$0x14];
	(tm) =	ssettm $0x1  }
0x97: {  	s5 =	sld [smem:$0x3FFB];
	_ =	sdelay $0x3  }
0x98: {  	_ =	strace s5  }
0x99: {  	s5 =	sld [smem:$0x3FFC];
	_ =	sdelay $0x3  }
0x9a: {  	_ =	strace s5  }
0x9b: {  	s5 =	sld [smem:$0x3FFD];
	_ =	sdelay $0x3  }
0x9c: {  	_ =	strace s5  }
0x9d: {  	_ =	strace $0x8FFFFFFF  }
0x9e: {  	s19 =	sld [smem:$0x3FDB];
	_ =	sdelay $0x1  }
0x9f: {  	s6 =	simm.s32 $_scs_section_size  }
0xa0: {  	s7 =	simm.s32 $_size__tile_overlayer_lowered;
	s8 =	simm.s32 $_tile_overlayer_lowered  }
0xa1: {  	s22 =	simm.s32 $0x1BFF;
	s21 =	sshll.u32 s8, $0x1;
	s5 =	sadd.s32 s6, s19  }
0xa2: {  	s9 =	simm.s32 $0x0;
	s20 =	sshll.u32 s7, $0x1;
	s7 =	sadd.s32 s21, s5  }
0xa3: {  	[timem:s9], [sflag:s22] =	dma.local [hbm:s7], s20  }
0xa4: {  	_ =	swait.ge [sflag:s22], s20  }
0xa5: {  	s6 =	ssub.s32 $0x0, s20;
	[sflag:s22] =	ssyncset.done $0x0  }
0xa6: {  	[sflag:s22] =	ssyncadd.s32 s6;
	_ =	sdelay $0x1  }
0xa7: {  	s23 =	simm.s32 $0x1B8B  }
0xa8: {  	_ =	swait.ge [sflag:s23], $0x1  }
0xa9: {  	[sflag:s23] =	ssyncset.done $0x0  }
0xaa: {  	s25 =	simm.s32 $0x1B8E;
	s24 =	sld [smem:$0x3FFE];
	[sflag:s23] =	ssyncadd.s32 $0xFFFFFFFF  }
0xab: {  	s26 =	simm.s32 $execute0_lowered;
	[smem:$0x3FD2] =	sst s25  }
0xac: {  	s7 =	sshll.u32 s26, $0x1;
	_ =	strace $0x80000046;
	[dreg:$0x1] =	wrdreg $0xFFFFFFFF  }
0xad: {  	s28 =	simm.s32 $_size_execute0_lowered;
	s5 =	sadd.s32 s5, s7;
	[dreg:$0x0] =	wrdreg $0x0  }
0xae: {  	s7 =	sshll.u32 s28, $0x1;
	[dreg:$0x2] =	wrdreg s5  }
0xaf: {  	[dreg:$0x3] =	wrdreg s7  }
0xb0: {  	[dreg:$0x4] =	wrdreg $0xC0  }
0xb1: {  	_ =	task [dreg:s9], $0x5FFFF  }
0xb2: {  	[dreg:$0x1] =	wrdreg $0xFFFFFFFF  }
0xb3: {  	[dreg:$0x0] =	wrdreg $0x60  }
0xb4: {  	[dreg:$0x2] =	wrdreg s18  }
0xb5: {  	[dreg:$0x3] =	wrdreg s17  }
0xb6: {  	[dreg:$0x4] =	wrdreg s16  }
0xb7: {  	[dreg:$0x5] =	wrdreg s24  }
0xb8: {  	[dreg:$0x6] =	wrdreg $0x12C000  }
0xb9: {  	[dreg:$0x7] =	wrdreg $0x88000  }
0xba: {  	[dreg:$0x8] =	wrdreg $0x9  }
0xbb: {  	_ =	task.clear_ibuf [dreg:s9], $0x9FFFF;
	_ =	strace $0x90000046  }
0xbc: {  	s29 =	simm.s32 $0x9;
	_ =	strace $0x80000048  }
0xbd: {  	_ =	swait.ge [sflag:s29], $0x1  }
0xbe: {  	[sflag:s29] =	ssyncadd.s32 $0xFFFFFFFF  }
0xbf: {  	_ =	strace $0x90000048  }
0xc0: {  	_ =	sfence  }
0xc1: {  	s30 =	sld [smem:$0x0];
	_ =	sdelay $0x2  }
0xc2: {  	s31 =	sshll.u32 s1, $0xD;
	s1 =	sshrl.u32 s1, $0x2  }
0xc3: {  	s3 =	sand.u32 $0x4000, s31;
	s1 =	sadd.s32 s1, s30  }
0xc4: {  	s0 =	sor.u32 s3, s0;
	s1 =	sshll.u32 s1, $0x11  }
0xc5: {  	s0 =	sor.u32 s1, s0  }
0xc6: {  	s0 =	sadd.s32 $0x8F2B, s0  }
0xc7: {  	[sflag:s0] =	ssyncadd.remote.s32 $0x1  }
0xc8: {  	_ =	sfence.sel $0xFFFF  }
0xc9: {  	[dreg:$0x0] =	wrdreg $0xFFFFFFFF;
	(pc) =	sbr.abs _section_cstart, $3  }
0xca: {  	[dreg:$0x1] =	wrdreg $0xFFFFFFFF  }
0xcb: {  	_ =	task.clear_ibuf [dreg:s9], $0x2FFFF;
	_ =	strace $0x9FFFFFFF  }
0xcc: {  	(tm) =	ssettm $0x7FFFFFFF  }
0xcd: {  	_ =	shalt  }
tec
execute0_lowered:
.L_overlay_start_1:
0x0: {  	(tag) =	ssettag $0x1  }
0x1: {  	s1 =	rddreg [dreg:$0x0]  }
0x2: {  	s0 =	rddreg [dreg:$0x1]  }
0x3: {  	s3 =	rddreg [dreg:$0x3]  }
0x4: {  	s2 =	rddreg [dreg:$0x4]  }
0x5: {  	s4 =	rddreg [dreg:$0x5];
	s6 =	srdreg.scid;
	s5 =	simm.s32 $0x0  }
0x6: {  	s12 =	stileid.u32;
	s28 =	simm.s32 $0x4800;
	s30 =	simm.s32 $0x6800  }
0x7: {  	s31 =	simm.s32 $0x400;
	s6 =	sand.u32 $0x1, s6;
	s8 =	smul.u32 $0x14000, s12  }
0x8: {  	[smem:$0x7FF] =	sst s5;
	s3 =	sadd.s32 $0xE00, s3;
	s10 =	smul.u32 $0x14800, s12  }
0x9: {  	s19 =	sshll.u32 s12, $0x6;
	s20 =	smul.u32 $0x5000, s12;
	s12 =	simm.s32 $0x100  }
0xa: {  	s7 =	ssub.s32 $0x2, s6;
	_ =	strace $0x80000047;
	s11 =	smul.u32 $0x50000, s6  }
0xb: {  	s6 =	smul.u32 $0x148000, s6;
	s9 =	sshrl.u32 s7, $0x1;
	s18 =	sshrl.u32 s8, $0x1  }
0xc: {  	s8 =	sshrl.u32 s8, $0x4;
	s21 =	sshrl.u32 s10, $0x1;
	s22 =	sadd.s32 $0x8000, s10  }
0xd: {  	s24 =	sadd.s32 $0x10000, s10;
	s7 =	ssub.s32 s7, s9;
	s9 =	sadd.s32 s18, s2  }
0xe: {  	s1 =	sadd.s32 s1, s8;
	s15 =	sadd.s32 s21, s4;
	s23 =	sshrl.u32 s22, $0x1  }
0xf: {  	s8 =	sadd.s32 s20, s11;
	s13 =	sshrl.u32 s24, $0x1;
	s10 =	sadd.s32 s10, s6  }
0x10: {  	s14 =	sadd.s32 s6, s22;
	[dreg:$0xb] =	wrdreg s1;
	s1 =	sor.u32 $0x1C09, s19  }
0x11: {  	s16 =	sadd.s32 s23, s4;
	s11 =	sshrl.u32 s8, $0x3;
	s29 =	sadd.s32 s13, s4  }
0x12: {  	s10 =	sshrl.u32 s10, $0x4;
	s17 =	sor.u32 $0xE00, s8;
	s21 =	sor.u32 $0xC00, s8  }
0x13: {  	s23 =	sor.u32 $0xA00, s8;
	s8 =	sor.u32 $0x800, s8;
	[dreg:$0xd] =	wrdreg s15  }
0x14: {  	s13 =	simm.s32 $0x600;
	[dreg:$0xc] =	wrdreg s1;
	s11 =	sadd.s32 s0, s11  }
0x15: {  	s10 =	sadd.s32 s3, s10;
	s19 =	sshrl.u32 s17, $0x3;
	[dreg:$0xe] =	wrdreg s16  }
0x16: {  	s1 =	sadd.s32 s6, s24;
	s22 =	sshrl.u32 s21, $0x3;
	[dreg:$0x10] =	wrdreg s29  }
0x17: {  	s8 =	sshrl.u32 s8, $0x3;
	s21 =	simm.s32 $0x800;
	[dreg:$0xf] =	wrdreg s11  }
0x18: {  	s17 =	simm.s32 $0x4;
	s25 =	sadd.s32 $0x40, s11;
	[dreg:$0x14] =	wrdreg s10  }
0x19: {  	s26 =	sadd.s32 $0x80, s11;
	s11 =	sadd.s32 $0xC0, s11;
	[dreg:$0x11] =	wrdreg s25  }
0x1a: {  	s20 =	sadd.s32 s19, s0;
	s6 =	sadd.s32 s22, s0;
	[dreg:$0x12] =	wrdreg s26  }
0x1b: {  	s10 =	sshrl.u32 s23, $0x3;
	s1 =	sshrl.u32 s1, $0x4;
	[dreg:$0x13] =	wrdreg s11  }
0x1c: {  	s22 =	simm.s32 $0x200;
	s23 =	simm.s32 $0x1;
	[dreg:$0x7] =	wrdreg s20  }
0x1d: {  	s19 =	simm.s32 $0x300;
	s11 =	sshrl.u32 s14, $0x4;
	[dreg:$0x8] =	wrdreg s6  }
0x1e: {  	s24 =	sadd.s32 s10, s0;
	s0 =	sadd.s32 s8, s0;
	s1 =	sadd.s32 s3, s1  }
0x1f: {  	s25 =	smax.u32 s7, $0x1;
	s26 =	sshrl.u32 s9, $0x3;
	[dreg:$0x9] =	wrdreg s24  }
0x20: {  	s6 =	simm.s32 $0x3;
	s7 =	simm.s32 $0x7;
	[dreg:$0x16] =	wrdreg s1  }
0x21: {  	s14 =	simm.s32 $0x6;
	s8 =	simm.s32 $0x580;
	[dreg:$0x17] =	wrdreg s25  }
0x22: {  	s9 =	simm.s32 $0x700;
	s18 =	sadd.s32 s3, s11;
	[dreg:$0xa] =	wrdreg s0  }
0x23: {  	[dreg:$0x18] =	wrdreg s26;
	s24 =	simm.s32 $0x80;
	s25 =	simm.s32 $0x2800  }
0x24: {  	s26 =	simm.s32 $0x2;
	s0 =	simm.s32 $0x5;
	s11 =	simm.s32 $0x780  }
0x25: {  	s1 =	simm.s32 $0x0;
	[dreg:$0x15] =	wrdreg s18;
	s18 =	simm.s32 $0x8  }
.LBB2_1:
0x26: {  	[dreg:$0x19] =	wrdreg s1  }
0x27: {  	s3 =	rddreg [dreg:$0xb]  }
0x28: {  	s20 =	rddreg [dreg:$0xc]  }
0x29: {  	s1 =	simm.s32 $0x9;
	s10 =	smov.u32 s29;
	s29 =	rddreg [dreg:$0x18]  }
0x2a: {  	[spmem:s29], [sflag:s20] =	dma.local [hbm:s3], $0x1400  }
0x2b: {  	_ =	swait.ge [sflag:s1], $0x1400  }
0x2c: {  	[sflag:s1] =	ssyncset.done $0x0  }
0x2d: {  	[sflag:s1] =	ssyncadd.s32 $0xFFFFEC00  }
0x2e: {  	s29 =	rddreg [dreg:$0x2]  }
0x2f: {  	[tilespmem:s21], [sflag:$0x9] =	stream.linear.gather [hbm4b:s29+s5], $0x4000, $0x38;
	[tilespmem:$0x1CC00] =	vst v63  }
0x30: {  	_ =	swait.ge [sflag:s1], $0x4000  }
0x31: {  	[sflag:s1] =	ssyncset.done $0x0  }
0x32: {  	[sflag:s1] =	ssyncadd.s32 $0xFFFFC000  }
0x33: {  	[spmem:s15] =	stream.linear.scatter [tilespmem:s21], [sflag:$0x9], $0x4000, $0x38;
	[tilespmem:$0x1CC00] =	vst v63  }
0x34: {  	_ =	swait.ge [sflag:s1], $0x4000  }
0x35: {  	[sflag:s1] =	ssyncset.done $0x0  }
0x36: {  	[sflag:s1] =	ssyncadd.s32 $0xFFFFC000  }
0x37: {  	[spmem:s16] =	stream.linear.scatter [tilespmem:s21], [sflag:$0x9], $0x4000, $0x38;
	[tilespmem:$0x1CC00] =	vst v63  }
0x38: {  	_ =	swait.ge [sflag:s1], $0x4000  }
0x39: {  	[sflag:s1] =	ssyncset.done $0x0  }
0x3a: {  	[sflag:s1] =	ssyncadd.s32 $0xFFFFC000  }
0x3b: {  	[spmem:s10] =	stream.linear.scatter [tilespmem:s21], [sflag:$0x9], $0x2400, $0x38;
	[tilespmem:$0x1CC00] =	vst v63  }
0x3c: {  	_ =	swait.ge [sflag:s1], $0x2400  }
0x3d: {  	[sflag:s1] =	ssyncset.done $0x0  }
0x3e: {  	[sflag:s1] =	ssyncadd.s32 $0xFFFFDC00  }
0x3f: {  	[bflag:$0x0] =	sbarrier.arrive $0xFFFF  }
0x40: {  	s16 =	rddreg [dreg:$0xf]  }
0x41: {  	[tilespmem:s5], [sflag:$0x1] =	stream.linear.gather [hbm4b:s16+s5], $0x200, $0x38;
	[tilespmem:$0x1CC00] =	vst v63  }
0x42: {  	s20 =	rddreg [dreg:$0x11]  }
0x43: {  	[tilespmem:s22], [sflag:$0x2] =	stream.linear.gather [hbm4b:s20+s5], $0x200, $0x38;
	[tilespmem:$0x1CC00] =	vst v63  }
0x44: {  	_ =	swait.ge [sflag:s23], $0x200  }
0x45: {  	[sflag:s23] =	ssyncset.done $0x0  }
0x46: {  	[sflag:s23] =	ssyncadd.s32 $0xFFFFFE00  }
0x47: {  	[tilespmem:s21], [sflag:$0x5] =	stream.indirect.gather [spmem:s2], $0x40, s5, s24, $0xb8;
	[tilespmem:$0x1CC00] =	vst v63  }
0x48: {  	_ = 	snop  }
0x49: {  	[tilespmem:s25], [sflag:$0x5] =	stream.indirect.gather [spmem:s2], $0x40, s24, s24, $0xb8;
	[tilespmem:$0x1CC00] =	vst v63  }
0x4a: {  	_ =	swait.ge [sflag:s26], $0x200  }
0x4b: {  	[sflag:s26] =	ssyncset.done $0x0  }
0x4c: {  	[sflag:s26] =	ssyncadd.s32 $0xFFFFFE00  }
0x4d: {  	[tilespmem:s28], [sflag:$0x6] =	stream.indirect.gather [spmem:s2], $0x40, s22, s24, $0xb8;
	[tilespmem:$0x1CC00] =	vst v63  }
0x4e: {  	s1 =	simm.s32 $0x280  }
0x4f: {  	[tilespmem:s30], [sflag:$0x6] =	stream.indirect.gather [spmem:s2], $0x40, s1, s24, $0xb8;
	[tilespmem:$0x1CC00] =	vst v63  }
0x50: {  	s29 =	rddreg [dreg:$0x12]  }
0x51: {  	[tilespmem:s31], [sflag:$0x3] =	stream.linear.gather [hbm4b:s29+s5], $0x200, $0x38;
	[tilespmem:$0x1CC00] =	vst v63  }
0x52: {  	_ =	swait.ge [sflag:s0], $0x2000  }
0x53: {  	[sflag:s0] =	ssyncset.done $0x0  }
0x54: {  	[sflag:s0] =	ssyncadd.s32 $0xFFFFE000  }
0x55: {  	_ =	swait.ge [sflag:s0], $0x2000  }
0x56: {  	[sflag:s0] =	ssyncset.done $0x0  }
0x57: {  	[sflag:s0] =	ssyncadd.s32 $0xFFFFE000  }
0x58: {  	[spmem:s4] =	stream.indirect.scatter.add.bf16 [tilespmem:s21], [sflag:$0x7], $0x40, s12, s24, $0xb8;
	[tilespmem:$0x1CC00] =	vst v63  }
0x59: {  	s15 =	simm.s32 $0x180  }
0x5a: {  	[spmem:s4] =	stream.indirect.scatter.add.bf16 [tilespmem:s25], [sflag:$0x7], $0x40, s15, s24, $0xb8;
	[tilespmem:$0x1CC00] =	vst v63  }
0x5b: {  	_ =	swait.ge [sflag:s6], $0x200  }
0x5c: {  	[sflag:s6] =	ssyncset.done $0x0  }
0x5d: {  	[sflag:s6] =	ssyncadd.s32 $0xFFFFFE00  }
0x5e: {  	_ =	swait.ge [sflag:s7], $0x2000  }
0x5f: {  	[sflag:s7] =	ssyncset.done $0x0  }
0x60: {  	[sflag:s7] =	ssyncadd.s32 $0xFFFFE000  }
0x61: {  	_ =	swait.ge [sflag:s7], $0x2000  }
0x62: {  	[sflag:s7] =	ssyncset.done $0x0  }
0x63: {  	[sflag:s7] =	ssyncadd.s32 $0xFFFFE000  }
0x64: {  	[tilespmem:s21], [sflag:$0x5] =	stream.indirect.gather [spmem:s2], $0x40, s31, s24, $0xb8;
	[tilespmem:$0x1CC00] =	vst v63  }
0x65: {  	s16 =	simm.s32 $0x480  }
0x66: {  	[tilespmem:s25], [sflag:$0x5] =	stream.indirect.gather [spmem:s2], $0x40, s16, s24, $0xb8;
	[tilespmem:$0x1CC00] =	vst v63  }
0x67: {  	s10 =	rddreg [dreg:$0x13]  }
0x68: {  	[tilespmem:s13], [sflag:$0x4] =	stream.linear.gather [hbm4b:s10+s5], $0x200, $0x38;
	[tilespmem:$0x1CC00] =	vst v63  }
0x69: {  	_ =	swait.ge [sflag:s14], $0x2000  }
0x6a: {  	[sflag:s14] =	ssyncset.done $0x0  }
0x6b: {  	[sflag:s14] =	ssyncadd.s32 $0xFFFFE000  }
0x6c: {  	_ =	swait.ge [sflag:s14], $0x2000  }
0x6d: {  	[sflag:s14] =	ssyncset.done $0x0  }
0x6e: {  	[sflag:s14] =	ssyncadd.s32 $0xFFFFE000  }
0x6f: {  	[spmem:s4] =	stream.indirect.scatter.add.bf16 [tilespmem:s28], [sflag:$0x8], $0x40, s19, s24, $0xb8;
	[tilespmem:$0x1CC00] =	vst v63  }
0x70: {  	s20 =	simm.s32 $0x380  }
0x71: {  	[spmem:s4] =	stream.indirect.scatter.add.bf16 [tilespmem:s30], [sflag:$0x8], $0x40, s20, s24, $0xb8;
	[tilespmem:$0x1CC00] =	vst v63  }
0x72: {  	_ =	swait.ge [sflag:s17], $0x200  }
0x73: {  	[sflag:s17] =	ssyncset.done $0x0  }
0x74: {  	[sflag:s17] =	ssyncadd.s32 $0xFFFFFE00  }
0x75: {  	_ =	swait.ge [sflag:s18], $0x2000  }
0x76: {  	[sflag:s18] =	ssyncset.done $0x0  }
0x77: {  	[sflag:s18] =	ssyncadd.s32 $0xFFFFE000  }
0x78: {  	_ =	swait.ge [sflag:s18], $0x2000  }
0x79: {  	[sflag:s18] =	ssyncset.done $0x0  }
0x7a: {  	[sflag:s18] =	ssyncadd.s32 $0xFFFFE000  }
0x7b: {  	[tilespmem:s28], [sflag:$0x6] =	stream.indirect.gather [spmem:s2], $0x40, s13, s24, $0xb8;
	[tilespmem:$0x1CC00] =	vst v63  }
0x7c: {  	s10 =	simm.s32 $0x680;
	s29 =	rddreg [dreg:$0xa]  }
0x7d: {  	[tilespmem:s30], [sflag:$0x6] =	stream.indirect.gather [spmem:s2], $0x40, s10, s24, $0xb8;
	[tilespmem:$0x1CC00] =	vst v63  }
0x7e: {  	s20 =	sadd.s32 $0x0, s29  }
0x7f: {  	[tilespmem:s5], [sflag:$0x1] =	stream.linear.gather [hbm4b:s20+s5], $0x200, $0x38;
	[tilespmem:$0x1CC00] =	vst v63  }
0x80: {  	_ =	swait.ge [sflag:s0], $0x2000  }
0x81: {  	[sflag:s0] =	ssyncset.done $0x0  }
0x82: {  	[sflag:s0] =	ssyncadd.s32 $0xFFFFE000  }
0x83: {  	_ =	swait.ge [sflag:s0], $0x2000  }
0x84: {  	[sflag:s0] =	ssyncset.done $0x0  }
0x85: {  	s29 =	simm.s32 $0x500;
	[sflag:s0] =	ssyncadd.s32 $0xFFFFE000  }
0x86: {  	[spmem:s4] =	stream.indirect.scatter.add.bf16 [tilespmem:s21], [sflag:$0x7], $0x40, s29, s24, $0xb8;
	[tilespmem:$0x1CC00] =	vst v63  }
0x87: {  	_ = 	snop  }
0x88: {  	[spmem:s4] =	stream.indirect.scatter.add.bf16 [tilespmem:s25], [sflag:$0x7], $0x40, s8, s24, $0xb8;
	[tilespmem:$0x1CC00] =	vst v63  }
0x89: {  	_ =	swait.ge [sflag:s23], $0x200  }
0x8a: {  	[sflag:s23] =	ssyncset.done $0x0  }
0x8b: {  	[sflag:s23] =	ssyncadd.s32 $0xFFFFFE00  }
0x8c: {  	_ =	swait.ge [sflag:s7], $0x2000  }
0x8d: {  	[sflag:s7] =	ssyncset.done $0x0  }
0x8e: {  	[sflag:s7] =	ssyncadd.s32 $0xFFFFE000  }
0x8f: {  	_ =	swait.ge [sflag:s7], $0x2000  }
0x90: {  	[sflag:s7] =	ssyncset.done $0x0  }
0x91: {  	[sflag:s7] =	ssyncadd.s32 $0xFFFFE000  }
0x92: {  	[tilespmem:s21], [sflag:$0x5] =	stream.indirect.gather [spmem:s2], $0x40, s5, s24, $0xb8;
	[tilespmem:$0x1CC00] =	vst v63  }
0x93: {  	s3 =	rddreg [dreg:$0x9]  }
0x94: {  	[tilespmem:s25], [sflag:$0x5] =	stream.indirect.gather [spmem:s2], $0x40, s24, s24, $0xb8;
	[tilespmem:$0x1CC00] =	vst v63  }
0x95: {  	s20 =	sadd.s32 $0x0, s3  }
0x96: {  	[tilespmem:s22], [sflag:$0x2] =	stream.linear.gather [hbm4b:s20+s5], $0x200, $0x38;
	[tilespmem:$0x1CC00] =	vst v63  }
0x97: {  	_ =	swait.ge [sflag:s14], $0x2000  }
0x98: {  	[sflag:s14] =	ssyncset.done $0x0  }
0x99: {  	[sflag:s14] =	ssyncadd.s32 $0xFFFFE000  }
0x9a: {  	_ =	swait.ge [sflag:s14], $0x2000  }
0x9b: {  	[sflag:s14] =	ssyncset.done $0x0  }
0x9c: {  	[sflag:s14] =	ssyncadd.s32 $0xFFFFE000  }
0x9d: {  	[spmem:s4] =	stream.indirect.scatter.add.bf16 [tilespmem:s28], [sflag:$0x8], $0x40, s9, s24, $0xb8;
	[tilespmem:$0x1CC00] =	vst v63  }
0x9e: {  	_ = 	snop  }
0x9f: {  	[spmem:s4] =	stream.indirect.scatter.add.bf16 [tilespmem:s30], [sflag:$0x8], $0x40, s11, s24, $0xb8;
	[tilespmem:$0x1CC00] =	vst v63  }
0xa0: {  	_ =	swait.ge [sflag:s26], $0x200  }
0xa1: {  	[sflag:s26] =	ssyncset.done $0x0  }
0xa2: {  	[sflag:s26] =	ssyncadd.s32 $0xFFFFFE00  }
0xa3: {  	_ =	swait.ge [sflag:s18], $0x2000  }
0xa4: {  	[sflag:s18] =	ssyncset.done $0x0  }
0xa5: {  	[sflag:s18] =	ssyncadd.s32 $0xFFFFE000  }
0xa6: {  	_ =	swait.ge [sflag:s18], $0x2000  }
0xa7: {  	[sflag:s18] =	ssyncset.done $0x0  }
0xa8: {  	[sflag:s18] =	ssyncadd.s32 $0xFFFFE000  }
0xa9: {  	[tilespmem:s28], [sflag:$0x6] =	stream.indirect.gather [spmem:s2], $0x40, s22, s24, $0xb8;
	[tilespmem:$0x1CC00] =	vst v63  }
0xaa: {  	s10 =	rddreg [dreg:$0x8]  }
0xab: {  	[tilespmem:s30], [sflag:$0x6] =	stream.indirect.gather [spmem:s2], $0x40, s1, s24, $0xb8;
	[tilespmem:$0x1CC00] =	vst v63  }
0xac: {  	s20 =	sadd.s32 $0x0, s10  }
0xad: {  	[tilespmem:s31], [sflag:$0x3] =	stream.linear.gather [hbm4b:s20+s5], $0x200, $0x38;
	[tilespmem:$0x1CC00] =	vst v63  }
0xae: {  	_ =	swait.ge [sflag:s0], $0x2000  }
0xaf: {  	[sflag:s0] =	ssyncset.done $0x0  }
0xb0: {  	[sflag:s0] =	ssyncadd.s32 $0xFFFFE000  }
0xb1: {  	_ =	swait.ge [sflag:s0], $0x2000  }
0xb2: {  	[sflag:s0] =	ssyncset.done $0x0  }
0xb3: {  	[sflag:s0] =	ssyncadd.s32 $0xFFFFE000  }
0xb4: {  	[spmem:s4] =	stream.indirect.scatter.add.bf16 [tilespmem:s21], [sflag:$0x7], $0x40, s12, s24, $0xb8;
	[tilespmem:$0x1CC00] =	vst v63  }
0xb5: {  	_ = 	snop  }
0xb6: {  	[spmem:s4] =	stream.indirect.scatter.add.bf16 [tilespmem:s25], [sflag:$0x7], $0x40, s15, s24, $0xb8;
	[tilespmem:$0x1CC00] =	vst v63  }
0xb7: {  	_ =	swait.ge [sflag:s6], $0x200  }
0xb8: {  	[sflag:s6] =	ssyncset.done $0x0  }
0xb9: {  	[sflag:s6] =	ssyncadd.s32 $0xFFFFFE00  }
0xba: {  	_ =	swait.ge [sflag:s7], $0x2000  }
0xbb: {  	[sflag:s7] =	ssyncset.done $0x0  }
0xbc: {  	[sflag:s7] =	ssyncadd.s32 $0xFFFFE000  }
0xbd: {  	_ =	swait.ge [sflag:s7], $0x2000  }
0xbe: {  	[sflag:s7] =	ssyncset.done $0x0  }
0xbf: {  	[sflag:s7] =	ssyncadd.s32 $0xFFFFE000  }
0xc0: {  	[tilespmem:s21], [sflag:$0x5] =	stream.indirect.gather [spmem:s2], $0x40, s31, s24, $0xb8;
	[tilespmem:$0x1CC00] =	vst v63  }
0xc1: {  	s29 =	rddreg [dreg:$0x7]  }
0xc2: {  	[tilespmem:s25], [sflag:$0x5] =	stream.indirect.gather [spmem:s2], $0x40, s16, s24, $0xb8;
	[tilespmem:$0x1CC00] =	vst v63  }
0xc3: {  	s20 =	sadd.s32 $0x0, s29  }
0xc4: {  	[tilespmem:s13], [sflag:$0x4] =	stream.linear.gather [hbm4b:s20+s5], $0x200, $0x38;
	[tilespmem:$0x1CC00] =	vst v63  }
0xc5: {  	_ =	swait.ge [sflag:s14], $0x2000  }
0xc6: {  	[sflag:s14] =	ssyncset.done $0x0  }
0xc7: {  	[sflag:s14] =	ssyncadd.s32 $0xFFFFE000  }
0xc8: {  	_ =	swait.ge [sflag:s14], $0x2000  }
0xc9: {  	[sflag:s14] =	ssyncset.done $0x0  }
0xca: {  	s20 =	simm.s32 $0x100;
	[sflag:s14] =	ssyncadd.s32 $0xFFFFE000  }
0xcb: {  	[spmem:s4] =	stream.indirect.scatter.add.bf16 [tilespmem:s28], [sflag:$0x8], $0x40, s19, s24, $0xb8;
	[tilespmem:$0x1CC00] =	vst v63  }
.LBB2_2:
0xcc: {  	s3 =	simm.s32 $0x380  }
0xcd: {  	[spmem:s4] =	stream.indirect.scatter.add.bf16 [tilespmem:s30], [sflag:$0x8], $0x40, s3, s24, $0xb8;
	[tilespmem:$0x1CC00] =	vst v63  }
0xce: {  	_ =	swait.ge [sflag:s17], $0x200  }
0xcf: {  	[sflag:s17] =	ssyncset.done $0x0  }
0xd0: {  	[sflag:s17] =	ssyncadd.s32 $0xFFFFFE00  }
0xd1: {  	_ =	swait.ge [sflag:s18], $0x2000  }
0xd2: {  	[sflag:s18] =	ssyncset.done $0x0  }
0xd3: {  	[sflag:s18] =	ssyncadd.s32 $0xFFFFE000  }
0xd4: {  	_ =	swait.ge [sflag:s18], $0x2000  }
0xd5: {  	[sflag:s18] =	ssyncset.done $0x0  }
0xd6: {  	[sflag:s18] =	ssyncadd.s32 $0xFFFFE000  }
0xd7: {  	[tilespmem:s28], [sflag:$0x6] =	stream.indirect.gather [spmem:s2], $0x40, s13, s24, $0xb8;
	[tilespmem:$0x1CC00] =	vst v63  }
0xd8: {  	s29 =	smov.u32 s20;
	s10 =	simm.s32 $0x680;
	s3 =	rddreg [dreg:$0xa]  }
0xd9: {  	[tilespmem:s30], [sflag:$0x6] =	stream.indirect.gather [spmem:s2], $0x40, s10, s24, $0xb8;
	[tilespmem:$0x1CC00] =	vst v63  }
0xda: {  	s3 =	sadd.s32 s29, s3  }
0xdb: {  	[tilespmem:s5], [sflag:$0x1] =	stream.linear.gather [hbm4b:s3+s5], $0x200, $0x38;
	[tilespmem:$0x1CC00] =	vst v63  }
0xdc: {  	_ =	swait.ge [sflag:s0], $0x2000  }
0xdd: {  	[sflag:s0] =	ssyncset.done $0x0  }
0xde: {  	[sflag:s0] =	ssyncadd.s32 $0xFFFFE000  }
0xdf: {  	_ =	swait.ge [sflag:s0], $0x2000  }
0xe0: {  	[sflag:s0] =	ssyncset.done $0x0  }
0xe1: {  	s10 =	simm.s32 $0x500;
	[sflag:s0] =	ssyncadd.s32 $0xFFFFE000  }
0xe2: {  	[spmem:s4] =	stream.indirect.scatter.add.bf16 [tilespmem:s21], [sflag:$0x7], $0x40, s10, s24, $0xb8;
	[tilespmem:$0x1CC00] =	vst v63  }
0xe3: {  	_ = 	snop  }
0xe4: {  	[spmem:s4] =	stream.indirect.scatter.add.bf16 [tilespmem:s25], [sflag:$0x7], $0x40, s8, s24, $0xb8;
	[tilespmem:$0x1CC00] =	vst v63  }
0xe5: {  	_ =	swait.ge [sflag:s23], $0x200  }
0xe6: {  	[sflag:s23] =	ssyncset.done $0x0  }
0xe7: {  	[sflag:s23] =	ssyncadd.s32 $0xFFFFFE00  }
0xe8: {  	_ =	swait.ge [sflag:s7], $0x2000  }
0xe9: {  	[sflag:s7] =	ssyncset.done $0x0  }
0xea: {  	[sflag:s7] =	ssyncadd.s32 $0xFFFFE000  }
0xeb: {  	_ =	swait.ge [sflag:s7], $0x2000  }
0xec: {  	[sflag:s7] =	ssyncset.done $0x0  }
0xed: {  	[sflag:s7] =	ssyncadd.s32 $0xFFFFE000  }
0xee: {  	[tilespmem:s21], [sflag:$0x5] =	stream.indirect.gather [spmem:s2], $0x40, s5, s24, $0xb8;
	[tilespmem:$0x1CC00] =	vst v63  }
0xef: {  	s10 =	rddreg [dreg:$0x9]  }
0xf0: {  	[tilespmem:s25], [sflag:$0x5] =	stream.indirect.gather [spmem:s2], $0x40, s24, s24, $0xb8;
	[tilespmem:$0x1CC00] =	vst v63  }
0xf1: {  	s3 =	sadd.s32 s29, s10  }
0xf2: {  	[tilespmem:s22], [sflag:$0x2] =	stream.linear.gather [hbm4b:s3+s5], $0x200, $0x38;
	[tilespmem:$0x1CC00] =	vst v63  }
0xf3: {  	_ =	swait.ge [sflag:s14], $0x2000  }
0xf4: {  	[sflag:s14] =	ssyncset.done $0x0  }
0xf5: {  	[sflag:s14] =	ssyncadd.s32 $0xFFFFE000  }
0xf6: {  	_ =	swait.ge [sflag:s14], $0x2000  }
0xf7: {  	[sflag:s14] =	ssyncset.done $0x0  }
0xf8: {  	[sflag:s14] =	ssyncadd.s32 $0xFFFFE000  }
0xf9: {  	[spmem:s4] =	stream.indirect.scatter.add.bf16 [tilespmem:s28], [sflag:$0x8], $0x40, s9, s24, $0xb8;
	[tilespmem:$0x1CC00] =	vst v63  }
0xfa: {  	_ = 	snop  }
0xfb: {  	[spmem:s4] =	stream.indirect.scatter.add.bf16 [tilespmem:s30], [sflag:$0x8], $0x40, s11, s24, $0xb8;
	[tilespmem:$0x1CC00] =	vst v63  }
0xfc: {  	_ =	swait.ge [sflag:s26], $0x200  }
0xfd: {  	[sflag:s26] =	ssyncset.done $0x0  }
0xfe: {  	[sflag:s26] =	ssyncadd.s32 $0xFFFFFE00  }
0xff: {  	_ =	swait.ge [sflag:s18], $0x2000  }
0x100: {  	[sflag:s18] =	ssyncset.done $0x0  }
0x101: {  	[sflag:s18] =	ssyncadd.s32 $0xFFFFE000  }
0x102: {  	_ =	swait.ge [sflag:s18], $0x2000  }
0x103: {  	[sflag:s18] =	ssyncset.done $0x0  }
0x104: {  	[sflag:s18] =	ssyncadd.s32 $0xFFFFE000  }
0x105: {  	[tilespmem:s28], [sflag:$0x6] =	stream.indirect.gather [spmem:s2], $0x40, s22, s24, $0xb8;
	[tilespmem:$0x1CC00] =	vst v63  }
0x106: {  	s10 =	rddreg [dreg:$0x8]  }
0x107: {  	[tilespmem:s30], [sflag:$0x6] =	stream.indirect.gather [spmem:s2], $0x40, s1, s24, $0xb8;
	[tilespmem:$0x1CC00] =	vst v63  }
0x108: {  	s3 =	sadd.s32 s29, s10  }
0x109: {  	[tilespmem:s31], [sflag:$0x3] =	stream.linear.gather [hbm4b:s3+s5], $0x200, $0x38;
	[tilespmem:$0x1CC00] =	vst v63  }
0x10a: {  	_ =	swait.ge [sflag:s0], $0x2000  }
0x10b: {  	[sflag:s0] =	ssyncset.done $0x0  }
0x10c: {  	[sflag:s0] =	ssyncadd.s32 $0xFFFFE000  }
0x10d: {  	_ =	swait.ge [sflag:s0], $0x2000  }
0x10e: {  	[sflag:s0] =	ssyncset.done $0x0  }
0x10f: {  	[sflag:s0] =	ssyncadd.s32 $0xFFFFE000  }
0x110: {  	[spmem:s4] =	stream.indirect.scatter.add.bf16 [tilespmem:s21], [sflag:$0x7], $0x40, s12, s24, $0xb8;
	[tilespmem:$0x1CC00] =	vst v63  }
0x111: {  	_ = 	snop  }
0x112: {  	[spmem:s4] =	stream.indirect.scatter.add.bf16 [tilespmem:s25], [sflag:$0x7], $0x40, s15, s24, $0xb8;
	[tilespmem:$0x1CC00] =	vst v63  }
0x113: {  	_ =	swait.ge [sflag:s6], $0x200  }
0x114: {  	[sflag:s6] =	ssyncset.done $0x0  }
0x115: {  	[sflag:s6] =	ssyncadd.s32 $0xFFFFFE00  }
0x116: {  	_ =	swait.ge [sflag:s7], $0x2000  }
0x117: {  	[sflag:s7] =	ssyncset.done $0x0  }
0x118: {  	[sflag:s7] =	ssyncadd.s32 $0xFFFFE000  }
0x119: {  	_ =	swait.ge [sflag:s7], $0x2000  }
0x11a: {  	[sflag:s7] =	ssyncset.done $0x0  }
0x11b: {  	[sflag:s7] =	ssyncadd.s32 $0xFFFFE000  }
0x11c: {  	[tilespmem:s21], [sflag:$0x5] =	stream.indirect.gather [spmem:s2], $0x40, s31, s24, $0xb8;
	[tilespmem:$0x1CC00] =	vst v63  }
0x11d: {  	s10 =	rddreg [dreg:$0x7]  }
0x11e: {  	[tilespmem:s25], [sflag:$0x5] =	stream.indirect.gather [spmem:s2], $0x40, s16, s24, $0xb8;
	[tilespmem:$0x1CC00] =	vst v63  }
0x11f: {  	s3 =	sadd.s32 s29, s10  }
0x120: {  	[tilespmem:s13], [sflag:$0x4] =	stream.linear.gather [hbm4b:s3+s5], $0x200, $0x38;
	[tilespmem:$0x1CC00] =	vst v63  }
0x121: {  	_ =	swait.ge [sflag:s14], $0x2000  }
0x122: {  	p0 =	sne.s32 s20, $0x800;
	[sflag:s14] =	ssyncset.done $0x0  }
.Ltmp0:
0x123: {  	[sflag:s14] =	ssyncadd.s32 $0xFFFFE000;
	(pc) =	sbr.rel @p0 .LBB2_2-.Ltmp0, $4  }
0x124: {  	_ =	swait.ge [sflag:s14], $0x2000  }
0x125: {  	[sflag:s14] =	ssyncset.done $0x0  }
0x126: {  	s20 =	sadd.s32 $0x100, s20;
	[sflag:s14] =	ssyncadd.s32 $0xFFFFE000  }
0x127: {  	[spmem:s4] =	stream.indirect.scatter.add.bf16 [tilespmem:s28], [sflag:$0x8], $0x40, s19, s24, $0xb8;
	[tilespmem:$0x1CC00] =	vst v63  }
0x128: {  	s1 =	simm.s32 $0x380  }
0x129: {  	[spmem:s4] =	stream.indirect.scatter.add.bf16 [tilespmem:s30], [sflag:$0x8], $0x40, s1, s24, $0xb8;
	[tilespmem:$0x1CC00] =	vst v63  }
0x12a: {  	_ =	swait.ge [sflag:s17], $0x200  }
0x12b: {  	[sflag:s17] =	ssyncset.done $0x0  }
0x12c: {  	[sflag:s17] =	ssyncadd.s32 $0xFFFFFE00  }
0x12d: {  	_ =	swait.ge [sflag:s18], $0x2000  }
0x12e: {  	[sflag:s18] =	ssyncset.done $0x0  }
0x12f: {  	[sflag:s18] =	ssyncadd.s32 $0xFFFFE000  }
0x130: {  	_ =	swait.ge [sflag:s18], $0x2000  }
0x131: {  	[sflag:s18] =	ssyncset.done $0x0  }
0x132: {  	[sflag:s18] =	ssyncadd.s32 $0xFFFFE000  }
0x133: {  	[tilespmem:s28], [sflag:$0x6] =	stream.indirect.gather [spmem:s2], $0x40, s13, s24, $0xb8;
	[tilespmem:$0x1CC00] =	vst v63  }
0x134: {  	s20 =	simm.s32 $0x680  }
0x135: {  	[tilespmem:s30], [sflag:$0x6] =	stream.indirect.gather [spmem:s2], $0x40, s20, s24, $0xb8;
	[tilespmem:$0x1CC00] =	vst v63  }
0x136: {  	_ =	swait.ge [sflag:s0], $0x2000  }
0x137: {  	[sflag:s0] =	ssyncset.done $0x0  }
0x138: {  	[sflag:s0] =	ssyncadd.s32 $0xFFFFE000  }
0x139: {  	_ =	swait.ge [sflag:s0], $0x2000  }
0x13a: {  	[sflag:s0] =	ssyncset.done $0x0  }
0x13b: {  	s3 =	simm.s32 $0x500;
	[sflag:s0] =	ssyncadd.s32 $0xFFFFE000  }
0x13c: {  	[spmem:s4] =	stream.indirect.scatter.add.bf16 [tilespmem:s21], [sflag:$0x7], $0x40, s3, s24, $0xb8;
	[tilespmem:$0x1CC00] =	vst v63  }
0x13d: {  	_ = 	snop  }
0x13e: {  	[spmem:s4] =	stream.indirect.scatter.add.bf16 [tilespmem:s25], [sflag:$0x7], $0x40, s8, s24, $0xb8;
	[tilespmem:$0x1CC00] =	vst v63  }
0x13f: {  	_ =	swait.ge [sflag:s7], $0x2000  }
0x140: {  	[sflag:s7] =	ssyncset.done $0x0  }
0x141: {  	[sflag:s7] =	ssyncadd.s32 $0xFFFFE000  }
0x142: {  	_ =	swait.ge [sflag:s7], $0x2000  }
0x143: {  	[sflag:s7] =	ssyncset.done $0x0  }
0x144: {  	[sflag:s7] =	ssyncadd.s32 $0xFFFFE000  }
0x145: {  	_ =	swait.ge [sflag:s14], $0x2000  }
0x146: {  	[sflag:s14] =	ssyncset.done $0x0  }
0x147: {  	[sflag:s14] =	ssyncadd.s32 $0xFFFFE000  }
0x148: {  	_ =	swait.ge [sflag:s14], $0x2000  }
0x149: {  	[sflag:s14] =	ssyncset.done $0x0  }
0x14a: {  	[sflag:s14] =	ssyncadd.s32 $0xFFFFE000  }
0x14b: {  	[spmem:s4] =	stream.indirect.scatter.add.bf16 [tilespmem:s28], [sflag:$0x8], $0x40, s9, s24, $0xb8;
	[tilespmem:$0x1CC00] =	vst v63  }
0x14c: {  	_ = 	snop  }
0x14d: {  	[spmem:s4] =	stream.indirect.scatter.add.bf16 [tilespmem:s30], [sflag:$0x8], $0x40, s11, s24, $0xb8;
	[tilespmem:$0x1CC00] =	vst v63  }
0x14e: {  	_ =	swait.ge [sflag:s18], $0x2000  }
0x14f: {  	[sflag:s18] =	ssyncset.done $0x0  }
0x150: {  	[sflag:s18] =	ssyncadd.s32 $0xFFFFE000  }
0x151: {  	_ =	swait.ge [sflag:s18], $0x2000  }
0x152: {  	[sflag:s18] =	ssyncset.done $0x0  }
0x153: {  	[sflag:s18] =	ssyncadd.s32 $0xFFFFE000  }
0x154: {  	[bflag:$0x0] =	sbarrier.arrive $0xFFFF  }
0x155: {  	s20 =	simm.s32 $0x9;
	s15 =	rddreg [dreg:$0xd]  }
0x156: {  	[tilespmem:s21], [sflag:$0x9] =	stream.linear.gather [spmem:s15], $0x4000, $0x38;
	[tilespmem:$0x1CC00] =	vst v63  }
0x157: {  	_ =	swait.ge [sflag:s20], $0x4000  }
0x158: {  	[sflag:s20] =	ssyncset.done $0x0  }
0x159: {  	s3 =	rddreg [dreg:$0x14];
	[sflag:s20] =	ssyncadd.s32 $0xFFFFC000  }
0x15a: {  	[hbm4b:s3+s5] =	stream.linear.scatter [tilespmem:s21], [sflag:$0x9], $0x4000, $0x38;
	[tilespmem:$0x1CC00] =	vst v63  }
0x15b: {  	_ =	swait.ge [sflag:s20], $0x4000  }
0x15c: {  	[sflag:s20] =	ssyncset.done $0x0  }
0x15d: {  	s16 =	rddreg [dreg:$0xe];
	[sflag:s20] =	ssyncadd.s32 $0xFFFFC000  }
0x15e: {  	[tilespmem:s28], [sflag:$0x9] =	stream.linear.gather [spmem:s16], $0x4000, $0x38;
	[tilespmem:$0x1CC00] =	vst v63  }
0x15f: {  	_ =	swait.ge [sflag:s20], $0x4000  }
0x160: {  	[sflag:s20] =	ssyncset.done $0x0  }
0x161: {  	s10 =	rddreg [dreg:$0x15];
	[sflag:s20] =	ssyncadd.s32 $0xFFFFC000  }
0x162: {  	[hbm4b:s10+s5] =	stream.linear.scatter [tilespmem:s28], [sflag:$0x9], $0x4000, $0x38;
	[tilespmem:$0x1CC00] =	vst v63  }
0x163: {  	_ =	swait.ge [sflag:s20], $0x4000  }
0x164: {  	[sflag:s20] =	ssyncset.done $0x0  }
0x165: {  	s29 =	rddreg [dreg:$0x10];
	[sflag:s20] =	ssyncadd.s32 $0xFFFFC000  }
0x166: {  	[tilespmem:s21], [sflag:$0x9] =	stream.linear.gather [spmem:s29], $0x2400, $0x38;
	[tilespmem:$0x1CC00] =	vst v63  }
0x167: {  	_ =	swait.ge [sflag:s20], $0x2400  }
0x168: {  	[sflag:s20] =	ssyncset.done $0x0  }
0x169: {  	s1 =	rddreg [dreg:$0x16];
	[sflag:s20] =	ssyncadd.s32 $0xFFFFDC00  }
0x16a: {  	[hbm4b:s1+s5] =	stream.linear.scatter [tilespmem:s21], [sflag:$0x9], $0x2400, $0x38;
	[tilespmem:$0x1CC00] =	vst v63  }
0x16b: {  	_ =	swait.ge [sflag:s20], $0x2400  }
0x16c: {  	s3 =	rddreg [dreg:$0x19]  }
0x16d: {  	s10 =	rddreg [dreg:$0x17];
	s1 =	sadd.s32 $0x1, s3  }
0x16e: {  	p0 =	sne.s32 s1, s10  }
.Ltmp1:
0x16f: {  	_ = 	snop;
	(pc) =	sbr.rel @p0 .LBB2_1-.Ltmp1, $3  }
0x170: {  	_ =	sdelay $0x1  }
0x171: {  	[sflag:s20] =	ssyncset.done $0x0;
	s20 =	simm.s32 $0x9  }
0x172: {  	[sflag:s20] =	ssyncadd.s32 $0xFFFFDC00  }
0x173: {  	_ =	sfence.sel $0x180000  }
0x174: {  	[bflag:$0x0] =	sbarrier.arrive $0xFFFF  }
0x175: {  	_ =	strace $0x90000047  }
0x176: {  	s0 =	stileid.u32;
	[bflag:$0x2] =	sbarrier.arrive $0xFFFF  }
0x177: {  	p0 =	sne.s32 s0, $0x0;
	s0 =	rddreg [dreg:$0x6]  }
0x178: {  	s0 =	sadd.s32 @!p0 $0x100000, s0  }
0x179: {  	[sflag:s0] =	ssyncadd.tile.s32 @!p0 $0x1;
	_ =	shalt  }
.Lfunc_end2:
_tile_overlayer_lowered:
.L_overlay_start_2:
0x17a: {  	(tag) =	ssettag $0x2  }
0x17b: {  	s0 =	rddreg [dreg:$0x0];
	s2 =	stileid.u32  }
0x17c: {  	s1 =	rddreg [dreg:$0x1];
	p0 =	sne.s32 s2, $0x0  }
0x17d: {  	s3 =	rddreg [dreg:$0x2];
	[bflag:$0x3] =	sbarrier.arrive $0xFFFF;
	s2 =	simm.s32 @!p0 $0x1C09  }
0x17e: {  	[timem:s3], [sflag:s2] =	dma.local @!p0 [hbm:s0], s1  }
0x17f: {  	s0 =	simm.s32 @!p0 $0x9  }
0x180: {  	_ =	swait.ge @!p0 [sflag:s0], s1  }
0x181: {  	s1 =	ssub.s32 @!p0 $0x0, s1;
	[sflag:s0] =	ssyncset.done @!p0 $0x0  }
0x182: {  	[sflag:s0] =	ssyncadd.s32 @!p0 s1  }
0x183: {  	[bflag:$0x3] =	sbarrier.arrive $0xFFFF  }
0x184: {  	_ =	shalt  }

</sc_bundles>
